<compile_context>
chip_gen: v7x
topology: tpu7x:2x2x1
jax: 0.10.2.dev20260603
libtpu: 0.0.44.dev20260713+nightly
codegen_flags: <defaults>
</compile_context>

<pallas_src>
import functools

import jax
import jax.numpy as jnp
from jax import lax
from jax.experimental import pallas as pl
from jax.experimental.pallas import tpu as pltpu
from jax.experimental.pallas import tpu_sc as plsc

N = 10000
N_PAD = 10240
E = 320000
D = 128
DH = D // 2

NC = 2
NS = 16
NW = NC * NS
K = 128
E_PAD = 327680
CH = E_PAD // (NS * K)
EW = E_PAD // NW
RW = EW // K
ZR = 128
RPS = N_PAD // NS
NBUF = 4

_sc_mesh = plsc.VectorSubcoreMesh(core_axis_name="c", subcore_axis_name="s")
_sc_params = pltpu.CompilerParams(needs_layout_passes=False,
                                  use_tc_tiling_on_sc=False)


def _deg_body(src_hbm, dst_hbm, out_hbm, sidx, didx, dego, degi):
    c = lax.axis_index("c")
    s = lax.axis_index("s")
    w = c * NS + s
    pltpu.sync_copy(src_hbm.at[w], sidx)
    pltpu.sync_copy(dst_hbm.at[w], didx)

    @pl.loop(0, N_PAD // 16)
    def _zero(i):
        dego[pl.ds(i * 16, 16)] = jnp.zeros((16,), jnp.float32)
        degi[pl.ds(i * 16, 16)] = jnp.zeros((16,), jnp.float32)

    ones = jnp.ones((16,), jnp.float32)

    @pl.loop(0, RW)
    def _hist(r):
        for l in range(K // 16):
            sv = sidx[r, pl.ds(l * 16, 16)]
            dv = didx[r, pl.ds(l * 16, 16)]
            plsc.addupdate_scatter(dego, [sv], ones)
            plsc.addupdate_scatter(degi, [dv], ones)

    pltpu.sync_copy(dego, out_hbm.at[c, s, 0])
    pltpu.sync_copy(degi, out_hbm.at[c, s, 1])


_deg_kernel = functools.partial(
    pl.kernel,
    out_type=jax.ShapeDtypeStruct((NC, NS, 2, N_PAD), jnp.float32),
    mesh=_sc_mesh,
    scratch_types=[
        pltpu.VMEM((RW, K), jnp.int32),
        pltpu.VMEM((RW, K), jnp.int32),
        pltpu.VMEM((N_PAD,), jnp.float32),
        pltpu.VMEM((N_PAD,), jnp.float32),
    ],
    compiler_params=_sc_params,
)(_deg_body)


def _agg_body(xs_hbm, src_hbm, dst_hbm, out_hbm, sidx, didx, bufs, zbuf, acc,
              gsem, ssem):
    c = lax.axis_index("c")
    s = lax.axis_index("s")
    pltpu.sync_copy(src_hbm.at[s], sidx)
    pltpu.sync_copy(dst_hbm.at[s], didx)

    @pl.loop(0, ZR)
    def _zfill(r):
        for l in range(DH // 16):
            zbuf[r, pl.ds(l * 16, 16)] = jnp.zeros((16,), jnp.float32)

    @pl.loop(0, RPS // ZR)
    def _zacc(t):
        pltpu.sync_copy(zbuf, acc.at[pl.ds(s * RPS + t * ZR, ZR)])

    plsc.subcore_barrier()

    LA = NBUF // 2
    xsc = xs_hbm.at[c]
    for k in range(LA):
        pltpu.async_copy(xsc.at[sidx.at[k]], bufs[k], gsem)

    @pl.loop(0, CH, step=NBUF)
    def _edges(j):
        for k in range(NBUF):
            p = j + k
            buf = bufs[k]
            nbuf = bufs[(k + LA) % NBUF]
            pltpu.make_async_copy(xsc.at[sidx.at[p]], buf, gsem).wait()
            didx_p = didx.at[p]
            pltpu.async_copy(buf, acc.at[didx_p], ssem, add=True)

            @pl.when(p >= LA)
            def _wait_scatter():
                pltpu.make_async_copy(nbuf, acc.at[didx_p], ssem).wait()

            @pl.when(p + LA < CH)
            def _next_gather():
                pltpu.async_copy(xsc.at[sidx.at[p + LA]], nbuf, gsem)

    for k in range(LA):
        pltpu.make_async_copy(bufs[k], acc.at[didx.at[k]], ssem).wait()

    plsc.subcore_barrier()
    pltpu.sync_copy(acc.at[pl.ds(s * RPS, RPS)],
                    out_hbm.at[c, pl.ds(s * RPS, RPS)])


_agg_kernel = functools.partial(
    pl.kernel,
    out_type=jax.ShapeDtypeStruct((NC, N_PAD, DH), jnp.float32),
    mesh=_sc_mesh,
    scratch_types=[
        pltpu.VMEM((CH, K), jnp.int32),
        pltpu.VMEM((CH, K), jnp.int32),
        [pltpu.VMEM((K, DH), jnp.float32) for _ in range(NBUF)],
        pltpu.VMEM((ZR, DH), jnp.float32),
        pltpu.VMEM_SHARED((N_PAD, DH), jnp.float32),
        pltpu.SemaphoreType.DMA,
        pltpu.SemaphoreType.DMA,
    ],
    compiler_params=_sc_params,
)(_agg_body)


def _norm_body(dp_ref, h_ref, xs_ref, nrm_ref):
    d = jnp.sum(dp_ref[...], axis=0)
    nrm = lax.rsqrt(jnp.maximum(d, 1.0))
    nrm_ref[...] = nrm.T
    xs = jnp.transpose(h_ref[...] * nrm[0:1, :], (1, 0))
    xs_ref[0] = xs[:, :DH]
    xs_ref[1] = xs[:, DH:]


def _norm_call(dp, hp, block):
    grid = (N_PAD // block,)
    return pl.pallas_call(
        _norm_body,
        grid=grid,
        in_specs=[
            pl.BlockSpec((NW, 2, block), lambda i: (0, 0, i)),
            pl.BlockSpec((D, block), lambda i: (0, i)),
        ],
        out_specs=[
            pl.BlockSpec((NC, block, DH), lambda i: (0, i, 0)),
            pl.BlockSpec((block, 2), lambda i: (i, 0)),
        ],
        out_shape=[
            jax.ShapeDtypeStruct((NC, N_PAD, DH), jnp.float32),
            jax.ShapeDtypeStruct((N_PAD, 2), jnp.float32),
        ],
    )(dp, hp)


def _mm_body(p_ref, nrm_ref, w_ref, b_ref, o_ref, *, layer1):
    nrm = nrm_ref[...]
    nd = nrm[:, 1:2]
    y = (jnp.dot(p_ref[0] * nd, w_ref[:DH, :],
                 preferred_element_type=jnp.float32)
         + jnp.dot(p_ref[1] * nd, w_ref[DH:, :],
                   preferred_element_type=jnp.float32)
         + b_ref[...])
    if layer1:
        y = jnp.maximum(y, 0.0) * nrm[:, 0:1]
        o_ref[0] = y[:, :DH]
        o_ref[1] = y[:, DH:]
    else:
        o_ref[...] = y


def _mm_call(p, nrm, w, b, layer1, block):
    grid = (N_PAD // block,)
    if layer1:
        out_spec = pl.BlockSpec((NC, block, DH), lambda i: (0, i, 0))
        out_shape = jax.ShapeDtypeStruct((NC, N_PAD, DH), jnp.float32)
    else:
        out_spec = pl.BlockSpec((block, D), lambda i: (i, 0))
        out_shape = jax.ShapeDtypeStruct((N_PAD, D), jnp.float32)
    return pl.pallas_call(
        functools.partial(_mm_body, layer1=layer1),
        grid=grid,
        in_specs=[
            pl.BlockSpec((NC, block, DH), lambda i: (0, i, 0)),
            pl.BlockSpec((block, 2), lambda i: (i, 0)),
            pl.BlockSpec((D, D), lambda i: (0, 0)),
            pl.BlockSpec((1, D), lambda i: (0, 0)),
        ],
        out_specs=out_spec,
        out_shape=out_shape,
    )(p, nrm, w, b)


@jax.jit
def kernel(h, edge_index, W1, b1, W2, b2):
    hp = jnp.pad(h, ((0, 0), (0, N_PAD - N)))
    dummy = N + (jnp.arange(E_PAD - E, dtype=jnp.int32) % (N_PAD - N))
    eip = jnp.concatenate(
        [edge_index, jnp.broadcast_to(dummy, (2, E_PAD - E))], axis=1)
    srcd = eip[0].reshape(NW, RW, K)
    dstd = eip[1].reshape(NW, RW, K)
    srca = eip[0].reshape(NS, CH, K)
    dsta = eip[1].reshape(NS, CH, K)

    degp = _deg_kernel(srcd, dstd).reshape(NW, 2, N_PAD)
    xs1, nrm = _norm_call(degp, hp, block=1280)

    p1 = _agg_kernel(xs1, srca, dsta)
    xs2 = _mm_call(p1, nrm, W1, b1.reshape(1, D), True, block=1280)

    p2 = _agg_kernel(xs2, srca, dsta)
    out = _mm_call(p2, nrm, W2, b2.reshape(1, D), False, block=1280)

    return jnp.transpose(out[:N], (1, 0))

# --- scband reference (transcript-rebuilt; emitter-appended) ---
"""Pipeline reference for scband-gcnn-31250182045888 (READ-ONLY COPY).

The authoritative reference and input builder live on the scoring server;
editing this copy changes nothing except your own understanding.
"""

import jax, jax.numpy as jnp
import numpy as np

N = 10000
E = 320000
D_IN = 128
D_HID = 128
D_OUT = 128


def setup_inputs(seed: int = 0) -> dict:
    key = jax.random.key(seed)
    k1, k2, k3, k4 = jax.random.split(key, 4)
    h = jax.random.normal(k1, (D_IN, N), dtype=jnp.float32)
    edge_index = jax.random.randint(k2, (2, E), 0, N, dtype=jnp.int32)
    W1 = jax.random.normal(k3, (D_IN, D_HID), dtype=jnp.float32) * (1.0 / np.sqrt(D_IN))
    b1 = jnp.zeros((D_HID,), dtype=jnp.float32)
    W2 = jax.random.normal(k4, (D_HID, D_OUT), dtype=jnp.float32) * (1.0 / np.sqrt(D_HID))
    b2 = jnp.zeros((D_OUT,), dtype=jnp.float32)
    return {"h": h, "edge_index": edge_index, "W1": W1, "b1": b1, "W2": W2, "b2": b2}


def _gcn_layer(x, edge_index, W, b):
    # DGL GraphConv with norm='both':
    # feat_src = feat * out_degree^{-1/2}; aggregate sum over edges src->dst;
    # rst = agg * in_degree^{-1/2}; rst = rst @ W + b
    src = edge_index[0]
    dst = edge_index[1]
    n = x.shape[0]
    ones = jnp.ones((src.shape[0],), dtype=x.dtype)
    deg_out = jnp.zeros((n,), dtype=x.dtype).at[src].add(ones)
    deg_in = jnp.zeros((n,), dtype=x.dtype).at[dst].add(ones)
    norm_src = jnp.power(jnp.maximum(deg_out, 1.0), -0.5)
    norm_dst = jnp.power(jnp.maximum(deg_in, 1.0), -0.5)
    xs = x * norm_src[:, None]
    msgs = jnp.take(xs, src, axis=0)
    agg = jnp.zeros((n, x.shape[1]), dtype=x.dtype).at[dst].add(msgs)
    agg = agg * norm_dst[:, None]
    return agg @ W + b


def reference(h, edge_index, W1, b1, W2, b2):
    # forward: h is [in_dim, N]; transpose to [N, in_dim]
    x = jnp.transpose(h, (1, 0))
    x = jax.nn.relu(_gcn_layer(x, edge_index, W1, b1))
    # dropout p=0 -> identity
    out = _gcn_layer(x, edge_index, W2, b2)
    # last_act is None -> identity; transpose back to [out_dim, N]
    return jnp.transpose(out, (1, 0))

if __name__ == "__main__":
    import jax
    _d = setup_inputs()
    print(jax.jit(kernel)(*tuple(_d.values())))

</pallas_src>

<mosaic_0001>
#map = affine_map<(d0, d1) -> (0, 0, 0)>
module attributes {stable_mosaic.version = 14 : i64} {
  func.func @_agg_body(%arg0: i32, %arg1: i32, %arg2: memref<2x10240x64xf32, #tpu.memory_space<hbm>>, %arg3: memref<16x160x128xi32, #tpu.memory_space<hbm>>, %arg4: memref<16x160x128xi32, #tpu.memory_space<hbm>>, %arg5: memref<2x10240x64xf32, #tpu.memory_space<hbm>>, %arg6: memref<160x128xi32, #tpu.memory_space<vmem>>, %arg7: memref<160x128xi32, #tpu.memory_space<vmem>>, %arg8: memref<128x64xf32, #tpu.memory_space<vmem>>, %arg9: memref<128x64xf32, #tpu.memory_space<vmem>>, %arg10: memref<128x64xf32, #tpu.memory_space<vmem>>, %arg11: memref<128x64xf32, #tpu.memory_space<vmem>>, %arg12: memref<128x64xf32, #tpu.memory_space<vmem>>, %arg13: memref<10240x64xf32, #tpu.memory_space<vmem_shared>>, %arg14: memref<!tpu.dma_semaphore, #tpu.memory_space<semaphore_mem>>, %arg15: memref<!tpu.dma_semaphore, #tpu.memory_space<semaphore_mem>>) attributes {dimension_semantics = [#tpu.dimension_semantics<core_parallel>, #tpu.dimension_semantics<subcore_parallel>], iteration_bounds = array<i64: 2, 16>, scalar_prefetch = 0 : i64, scratch_operands = 10 : i64, tpu.core_type = #tpu.core_type<sc_vector_subcore>, window_params = [{transform_indices = #map}, {transform_indices = #map}, {transform_indices = #map}, {transform_indices = #map}]} {
    "tpu.region"() ({
      %run_scoped3A = tpu.sem_alloc : memref<!tpu.dma_semaphore, #tpu.memory_space<semaphore_mem>>
      %dma_start3A_52 = arith.constant 0 : i32
      %dma_start3A_53 = arith.constant 0 : i32
      %dma_start3A_54 = tpu.memref_slice %arg3[%arg1, %dma_start3A_52, %dma_start3A_53] : memref<16x160x128xi32, #tpu.memory_space<hbm>> -> memref<1x160x128xi32, #tpu.memory_space<hbm>>
      %dma_start3A_55 = tpu.memref_squeeze %dma_start3A_54 : memref<1x160x128xi32, #tpu.memory_space<hbm>> -> memref<160x128xi32, #tpu.memory_space<hbm>>
      %dma_start3A_56 = arith.constant 0 : i32
      %dma_start3A_57 = arith.constant 0 : i32
      %dma_start3A_58 = tpu.memref_slice %arg3[%arg1, %dma_start3A_56, %dma_start3A_57] : memref<16x160x128xi32, #tpu.memory_space<hbm>> -> memref<1x160x128xi32, #tpu.memory_space<hbm>>
      %dma_start3A_59 = tpu.memref_squeeze %dma_start3A_58 : memref<1x160x128xi32, #tpu.memory_space<hbm>> -> memref<160x128xi32, #tpu.memory_space<hbm>>
      tpu.enqueue_dma source(%dma_start3A_59 : memref<160x128xi32, #tpu.memory_space<hbm>>) target(%arg6 : memref<160x128xi32, #tpu.memory_space<vmem>>) target_semaphore(%run_scoped3A : memref<!tpu.dma_semaphore, #tpu.memory_space<semaphore_mem>>)
      %dma_wait3A_60 = arith.constant 0 : i32
      %dma_wait3A_61 = arith.constant 0 : i32
      %dma_wait3A_62 = tpu.memref_slice %arg3[%arg1, %dma_wait3A_60, %dma_wait3A_61] : memref<16x160x128xi32, #tpu.memory_space<hbm>> -> memref<1x160x128xi32, #tpu.memory_space<hbm>>
      %dma_wait3A_63 = tpu.memref_squeeze %dma_wait3A_62 : memref<1x160x128xi32, #tpu.memory_space<hbm>> -> memref<160x128xi32, #tpu.memory_space<hbm>>
      %dma_wait3A_64 = arith.constant 0 : i32
      %dma_wait3A_65 = arith.constant 0 : i32
      %dma_wait3A_66 = tpu.memref_slice %arg3[%arg1, %dma_wait3A_64, %dma_wait3A_65] : memref<16x160x128xi32, #tpu.memory_space<hbm>> -> memref<1x160x128xi32, #tpu.memory_space<hbm>>
      %dma_wait3A_67 = tpu.memref_squeeze %dma_wait3A_66 : memref<1x160x128xi32, #tpu.memory_space<hbm>> -> memref<160x128xi32, #tpu.memory_space<hbm>>
      tpu.wait_dma2 semaphore(%run_scoped3A : memref<!tpu.dma_semaphore, #tpu.memory_space<semaphore_mem>>) src(%dma_wait3A_67 : memref<160x128xi32, #tpu.memory_space<hbm>>) dst(%arg6 : memref<160x128xi32, #tpu.memory_space<vmem>>)
      tpu.yield
    }) : () -> ()
    "tpu.region"() ({
      %run_scoped3A = tpu.sem_alloc : memref<!tpu.dma_semaphore, #tpu.memory_space<semaphore_mem>>
      %dma_start3A_52 = arith.constant 0 : i32
      %dma_start3A_53 = arith.constant 0 : i32
      %dma_start3A_54 = tpu.memref_slice %arg4[%arg1, %dma_start3A_52, %dma_start3A_53] : memref<16x160x128xi32, #tpu.memory_space<hbm>> -> memref<1x160x128xi32, #tpu.memory_space<hbm>>
      %dma_start3A_55 = tpu.memref_squeeze %dma_start3A_54 : memref<1x160x128xi32, #tpu.memory_space<hbm>> -> memref<160x128xi32, #tpu.memory_space<hbm>>
      %dma_start3A_56 = arith.constant 0 : i32
      %dma_start3A_57 = arith.constant 0 : i32
      %dma_start3A_58 = tpu.memref_slice %arg4[%arg1, %dma_start3A_56, %dma_start3A_57] : memref<16x160x128xi32, #tpu.memory_space<hbm>> -> memref<1x160x128xi32, #tpu.memory_space<hbm>>
      %dma_start3A_59 = tpu.memref_squeeze %dma_start3A_58 : memref<1x160x128xi32, #tpu.memory_space<hbm>> -> memref<160x128xi32, #tpu.memory_space<hbm>>
      tpu.enqueue_dma source(%dma_start3A_59 : memref<160x128xi32, #tpu.memory_space<hbm>>) target(%arg7 : memref<160x128xi32, #tpu.memory_space<vmem>>) target_semaphore(%run_scoped3A : memref<!tpu.dma_semaphore, #tpu.memory_space<semaphore_mem>>)
      %dma_wait3A_60 = arith.constant 0 : i32
      %dma_wait3A_61 = arith.constant 0 : i32
      %dma_wait3A_62 = tpu.memref_slice %arg4[%arg1, %dma_wait3A_60, %dma_wait3A_61] : memref<16x160x128xi32, #tpu.memory_space<hbm>> -> memref<1x160x128xi32, #tpu.memory_space<hbm>>
      %dma_wait3A_63 = tpu.memref_squeeze %dma_wait3A_62 : memref<1x160x128xi32, #tpu.memory_space<hbm>> -> memref<160x128xi32, #tpu.memory_space<hbm>>
      %dma_wait3A_64 = arith.constant 0 : i32
      %dma_wait3A_65 = arith.constant 0 : i32
      %dma_wait3A_66 = tpu.memref_slice %arg4[%arg1, %dma_wait3A_64, %dma_wait3A_65] : memref<16x160x128xi32, #tpu.memory_space<hbm>> -> memref<1x160x128xi32, #tpu.memory_space<hbm>>
      %dma_wait3A_67 = tpu.memref_squeeze %dma_wait3A_66 : memref<1x160x128xi32, #tpu.memory_space<hbm>> -> memref<160x128xi32, #tpu.memory_space<hbm>>
      tpu.wait_dma2 semaphore(%run_scoped3A : memref<!tpu.dma_semaphore, #tpu.memory_space<semaphore_mem>>) src(%dma_wait3A_67 : memref<160x128xi32, #tpu.memory_space<hbm>>) dst(%arg7 : memref<160x128xi32, #tpu.memory_space<vmem>>)
      tpu.yield
    }) : () -> ()
    %scan3A = arith.constant 0 : i32
    %scan3A_0 = arith.constant 128 : i32
    %scan3A_1 = arith.addi %scan3A, %scan3A_0 : i32
    %scan3A_2 = arith.constant 1 : i32
    scf.for %scan3A_52 = %scan3A to %scan3A_1 step %scan3A_2  : i32 {
      %mul3A_53 = arith.constant 1 : i32
      %mul3A_54 = arith.muli %scan3A_52, %mul3A_53 : i32
      %add3A = arith.constant 0 : i32
      %add3A_55 = arith.addi %add3A, %mul3A_54 : i32
      %broadcast_in_dim3A = arith.constant 0.000000e+00 : f32
      %broadcast_in_dim3A_56 = vector.broadcast %broadcast_in_dim3A : f32 to vector<16xf32>
      %swap3A = arith.index_cast %add3A_55 : i32 to index
      %swap3A_57 = arith.constant 0 : index
      %swap3A_58 = tpu.vector_load %arg12[%swap3A, %swap3A_57] {strides = array<i32>} : memref<128x64xf32, #tpu.memory_space<vmem>>, vector<16xf32>,
      tpu.vector_store %arg12[%swap3A, %swap3A_57], %broadcast_in_dim3A_56 {strides = array<i32>} : memref<128x64xf32, #tpu.memory_space<vmem>>, vector<16xf32>,
      %broadcast_in_dim3A_59 = arith.constant 0.000000e+00 : f32
      %broadcast_in_dim3A_60 = vector.broadcast %broadcast_in_dim3A_59 : f32 to vector<16xf32>
      %swap3A_61 = arith.index_cast %add3A_55 : i32 to index
      %swap3A_62 = arith.constant 16 : index
      %swap3A_63 = tpu.vector_load %arg12[%swap3A_61, %swap3A_62] {strides = array<i32>} : memref<128x64xf32, #tpu.memory_space<vmem>>, vector<16xf32>,
      tpu.vector_store %arg12[%swap3A_61, %swap3A_62], %broadcast_in_dim3A_60 {strides = array<i32>} : memref<128x64xf32, #tpu.memory_space<vmem>>, vector<16xf32>,
      %broadcast_in_dim3A_64 = arith.constant 0.000000e+00 : f32
      %broadcast_in_dim3A_65 = vector.broadcast %broadcast_in_dim3A_64 : f32 to vector<16xf32>
      %swap3A_66 = arith.index_cast %add3A_55 : i32 to index
      %swap3A_67 = arith.constant 32 : index
      %swap3A_68 = tpu.vector_load %arg12[%swap3A_66, %swap3A_67] {strides = array<i32>} : memref<128x64xf32, #tpu.memory_space<vmem>>, vector<16xf32>,
      tpu.vector_store %arg12[%swap3A_66, %swap3A_67], %broadcast_in_dim3A_65 {strides = array<i32>} : memref<128x64xf32, #tpu.memory_space<vmem>>, vector<16xf32>,
      %broadcast_in_dim3A_69 = arith.constant 0.000000e+00 : f32
      %broadcast_in_dim3A_70 = vector.broadcast %broadcast_in_dim3A_69 : f32 to vector<16xf32>
      %swap3A_71 = arith.index_cast %add3A_55 : i32 to index
      %swap3A_72 = arith.constant 48 : index
      %swap3A_73 = tpu.vector_load %arg12[%swap3A_71, %swap3A_72] {strides = array<i32>} : memref<128x64xf32, #tpu.memory_space<vmem>>, vector<16xf32>,
      tpu.vector_store %arg12[%swap3A_71, %swap3A_72], %broadcast_in_dim3A_70 {strides = array<i32>} : memref<128x64xf32, #tpu.memory_space<vmem>>, vector<16xf32>,
    }
    %scan3A_3 = arith.constant 128 : i32
    %scan3A_4 = arith.constant 0 : i32
    %scan3A_5 = arith.constant 5 : i32
    %scan3A_6 = arith.addi %scan3A_4, %scan3A_5 : i32
    %scan3A_7 = arith.constant 1 : i32
    scf.for %scan3A_52 = %scan3A_4 to %scan3A_6 step %scan3A_7  : i32 {
      %mul3A_53 = arith.constant 1 : i32
      %mul3A_54 = arith.muli %scan3A_52, %mul3A_53 : i32
      %add3A = arith.constant 0 : i32
      %add3A_55 = arith.addi %add3A, %mul3A_54 : i32
      %mul3A_56 = arith.constant 640 : i32
      %mul3A_57 = arith.muli %arg1, %mul3A_56 : i32
      %mul3A_58 = arith.constant 128 : i32
      %mul3A_59 = arith.muli %add3A_55, %mul3A_58 : i32
      %add3A_60 = arith.addi %mul3A_57, %mul3A_59 : i32
      "tpu.region"() ({
        %run_scoped3A = tpu.sem_alloc : memref<!tpu.dma_semaphore, #tpu.memory_space<semaphore_mem>>
        %dma_start3A_61 = arith.constant 0 : i32
        %dma_start3A_62 = tpu.memref_slice %arg13[%add3A_60, %dma_start3A_61] : memref<10240x64xf32, #tpu.memory_space<vmem_shared>> -> memref<128x64xf32, #tpu.memory_space<vmem_shared>>
        %dma_start3A_63 = arith.constant 0 : i32
        %dma_start3A_64 = tpu.memref_slice %arg13[%add3A_60, %dma_start3A_63] : memref<10240x64xf32, #tpu.memory_space<vmem_shared>> -> memref<128x64xf32, #tpu.memory_space<vmem_shared>>
        tpu.enqueue_dma source(%arg12 : memref<128x64xf32, #tpu.memory_space<vmem>>) target(%dma_start3A_64 : memref<128x64xf32, #tpu.memory_space<vmem_shared>>) target_semaphore(%run_scoped3A : memref<!tpu.dma_semaphore, #tpu.memory_space<semaphore_mem>>)
        %dma_wait3A_65 = arith.constant 0 : i32
        %dma_wait3A_66 = tpu.memref_slice %arg13[%add3A_60, %dma_wait3A_65] : memref<10240x64xf32, #tpu.memory_space<vmem_shared>> -> memref<128x64xf32, #tpu.memory_space<vmem_shared>>
        %dma_wait3A_67 = arith.constant 0 : i32
        %dma_wait3A_68 = tpu.memref_slice %arg13[%add3A_60, %dma_wait3A_67] : memref<10240x64xf32, #tpu.memory_space<vmem_shared>> -> memref<128x64xf32, #tpu.memory_space<vmem_shared>>
        tpu.wait_dma2 semaphore(%run_scoped3A : memref<!tpu.dma_semaphore, #tpu.memory_space<semaphore_mem>>) src(%arg12 : memref<128x64xf32, #tpu.memory_space<vmem>>) dst(%dma_wait3A_68 : memref<128x64xf32, #tpu.memory_space<vmem_shared>>)
        tpu.yield
      }) : () -> ()
    }
    %scan3A_8 = arith.constant 5 : i32
    %barrier3A = arith.constant 0 : index
    tpu.barrier barrier_id(%barrier3A)
    %dma_start3A = arith.constant 0 : i32
    %dma_start3A_9 = arith.constant 0 : i32
    %dma_start3A_10 = tpu.memref_slice %arg6[%dma_start3A, %dma_start3A_9] : memref<160x128xi32, #tpu.memory_space<vmem>> -> memref<1x128xi32, #tpu.memory_space<vmem>>
    %dma_start3A_11 = tpu.memref_squeeze %dma_start3A_10 : memref<1x128xi32, #tpu.memory_space<vmem>> -> memref<128xi32, #tpu.memory_space<vmem>>
    %dma_start3A_12 = arith.constant 0 : i32
    %dma_start3A_13 = arith.constant 0 : i32
    %dma_start3A_14 = tpu.memref_slice %arg2[%arg0, %dma_start3A_12, %dma_start3A_13] : memref<2x10240x64xf32, #tpu.memory_space<hbm>> -> memref<1x10240x64xf32, #tpu.memory_space<hbm>>
    %dma_start3A_15 = tpu.memref_squeeze %dma_start3A_14 : memref<1x10240x64xf32, #tpu.memory_space<hbm>> -> memref<10240x64xf32, #tpu.memory_space<hbm>>
    %dma_start3A_16 = arith.constant 0 : i32
    %dma_start3A_17 = arith.constant 0 : i32
    %dma_start3A_18 = tpu.memref_slice %dma_start3A_15[%dma_start3A_16, %dma_start3A_17] : memref<10240x64xf32, #tpu.memory_space<hbm>> -> memref<10240x64xf32, #tpu.memory_space<hbm>>
    tpu.enqueue_indirect_dma source(%dma_start3A_18 : memref<10240x64xf32, #tpu.memory_space<hbm>>) target(%arg8 : memref<128x64xf32, #tpu.memory_space<vmem>>) offsets(%dma_start3A_11 : memref<128xi32, #tpu.memory_space<vmem>>) semaphore(%arg14 : memref<!tpu.dma_semaphore, #tpu.memory_space<semaphore_mem>>)
    %dma_start3A_19 = arith.constant 1 : i32
    %dma_start3A_20 = arith.constant 0 : i32
    %dma_start3A_21 = tpu.memref_slice %arg6[%dma_start3A_19, %dma_start3A_20] : memref<160x128xi32, #tpu.memory_space<vmem>> -> memref<1x128xi32, #tpu.memory_space<vmem>>
    %dma_start3A_22 = tpu.memref_squeeze %dma_start3A_21 : memref<1x128xi32, #tpu.memory_space<vmem>> -> memref<128xi32, #tpu.memory_space<vmem>>
    %dma_start3A_23 = arith.constant 0 : i32
    %dma_start3A_24 = arith.constant 0 : i32
    %dma_start3A_25 = tpu.memref_slice %arg2[%arg0, %dma_start3A_23, %dma_start3A_24] : memref<2x10240x64xf32, #tpu.memory_space<hbm>> -> memref<1x10240x64xf32, #tpu.memory_space<hbm>>
    %dma_start3A_26 = tpu.memref_squeeze %dma_start3A_25 : memref<1x10240x64xf32, #tpu.memory_space<hbm>> -> memref<10240x64xf32, #tpu.memory_space<hbm>>
    %dma_start3A_27 = arith.constant 0 : i32
    %dma_start3A_28 = arith.constant 0 : i32
    %dma_start3A_29 = tpu.memref_slice %dma_start3A_26[%dma_start3A_27, %dma_start3A_28] : memref<10240x64xf32, #tpu.memory_space<hbm>> -> memref<10240x64xf32, #tpu.memory_space<hbm>>
    tpu.enqueue_indirect_dma source(%dma_start3A_29 : memref<10240x64xf32, #tpu.memory_space<hbm>>) target(%arg9 : memref<128x64xf32, #tpu.memory_space<vmem>>) offsets(%dma_start3A_22 : memref<128xi32, #tpu.memory_space<vmem>>) semaphore(%arg14 : memref<!tpu.dma_semaphore, #tpu.memory_space<semaphore_mem>>)
    %scan3A_30 = arith.constant 0 : i32
    %scan3A_31 = arith.constant 40 : i32
    %scan3A_32 = arith.addi %scan3A_30, %scan3A_31 : i32
    %scan3A_33 = arith.constant 1 : i32
    scf.for %scan3A_52 = %scan3A_30 to %scan3A_32 step %scan3A_33  : i32 {
      %mul3A_53 = arith.constant 4 : i32
      %mul3A_54 = arith.muli %scan3A_52, %mul3A_53 : i32
      %add3A = arith.constant 0 : i32
      %add3A_55 = arith.addi %add3A, %mul3A_54 : i32
      %add3A_56 = arith.constant 0 : i32
      %add3A_57 = arith.addi %add3A_55, %add3A_56 : i32
      %dma_wait3A_58 = arith.constant 0 : i32
      %dma_wait3A_59 = tpu.memref_slice %arg6[%add3A_57, %dma_wait3A_58] : memref<160x128xi32, #tpu.memory_space<vmem>> -> memref<1x128xi32, #tpu.memory_space<vmem>>
      %dma_wait3A_60 = tpu.memref_squeeze %dma_wait3A_59 : memref<1x128xi32, #tpu.memory_space<vmem>> -> memref<128xi32, #tpu.memory_space<vmem>>
      %dma_wait3A_61 = arith.constant 0 : i32
      %dma_wait3A_62 = arith.constant 0 : i32
      %dma_wait3A_63 = tpu.memref_slice %arg2[%arg0, %dma_wait3A_61, %dma_wait3A_62] : memref<2x10240x64xf32, #tpu.memory_space<hbm>> -> memref<1x10240x64xf32, #tpu.memory_space<hbm>>
      %dma_wait3A_64 = tpu.memref_squeeze %dma_wait3A_63 : memref<1x10240x64xf32, #tpu.memory_space<hbm>> -> memref<10240x64xf32, #tpu.memory_space<hbm>>
      %dma_wait3A_65 = arith.constant 0 : i32
      %dma_wait3A_66 = arith.constant 0 : i32
      %dma_wait3A_67 = tpu.memref_slice %dma_wait3A_64[%dma_wait3A_65, %dma_wait3A_66] : memref<10240x64xf32, #tpu.memory_space<hbm>> -> memref<10240x64xf32, #tpu.memory_space<hbm>>
      tpu.wait_indirect_dma semaphore(%arg14 : memref<!tpu.dma_semaphore, #tpu.memory_space<semaphore_mem>>) src(%dma_wait3A_67 : memref<10240x64xf32, #tpu.memory_space<hbm>>) dst(%arg8 : memref<128x64xf32, #tpu.memory_space<vmem>>)
      %dma_start3A_68 = arith.constant 0 : i32
      %dma_start3A_69 = tpu.memref_slice %arg7[%add3A_57, %dma_start3A_68] : memref<160x128xi32, #tpu.memory_space<vmem>> -> memref<1x128xi32, #tpu.memory_space<vmem>>
      %dma_start3A_70 = tpu.memref_squeeze %dma_start3A_69 : memref<1x128xi32, #tpu.memory_space<vmem>> -> memref<128xi32, #tpu.memory_space<vmem>>
      %dma_start3A_71 = arith.constant 0 : i32
      %dma_start3A_72 = arith.constant 0 : i32
      %dma_start3A_73 = tpu.memref_slice %arg13[%dma_start3A_71, %dma_start3A_72] : memref<10240x64xf32, #tpu.memory_space<vmem_shared>> -> memref<10240x64xf32, #tpu.memory_space<vmem_shared>>
      tpu.enqueue_indirect_dma source(%arg8 : memref<128x64xf32, #tpu.memory_space<vmem>>) target(%dma_start3A_73 : memref<10240x64xf32, #tpu.memory_space<vmem_shared>>) offsets(%dma_start3A_70 : memref<128xi32, #tpu.memory_space<vmem>>) semaphore(%arg15 : memref<!tpu.dma_semaphore, #tpu.memory_space<semaphore_mem>>) {add = true}
      %ge3A = arith.constant 2 : i32
      %ge3A_74 = arith.cmpi sge, %add3A_57, %ge3A : i32
      %convert_element_type3A = arith.extui %ge3A_74 : i1 to i32
      %cond3A = arith.constant 0 : i32
      %cond3A_75 = arith.cmpi ne, %convert_element_type3A, %cond3A : i32
      scf.if %cond3A_75 {
        %dma_wait3A_172 = arith.constant 0 : i32
        %dma_wait3A_173 = tpu.memref_slice %arg7[%add3A_57, %dma_wait3A_172] : memref<160x128xi32, #tpu.memory_space<vmem>> -> memref<1x128xi32, #tpu.memory_space<vmem>>
        %dma_wait3A_174 = tpu.memref_squeeze %dma_wait3A_173 : memref<1x128xi32, #tpu.memory_space<vmem>> -> memref<128xi32, #tpu.memory_space<vmem>>
        %dma_wait3A_175 = arith.constant 0 : i32
        %dma_wait3A_176 = arith.constant 0 : i32
        %dma_wait3A_177 = tpu.memref_slice %arg13[%dma_wait3A_175, %dma_wait3A_176] : memref<10240x64xf32, #tpu.memory_space<vmem_shared>> -> memref<10240x64xf32, #tpu.memory_space<vmem_shared>>
        tpu.wait_indirect_dma semaphore(%arg15 : memref<!tpu.dma_semaphore, #tpu.memory_space<semaphore_mem>>) src(%arg10 : memref<128x64xf32, #tpu.memory_space<vmem>>) dst(%dma_wait3A_177 : memref<10240x64xf32, #tpu.memory_space<vmem_shared>>)
      } else {
      }
      %add3A_76 = arith.constant 2 : i32
      %add3A_77 = arith.addi %add3A_57, %add3A_76 : i32
      %lt3A = arith.constant 160 : i32
      %lt3A_78 = arith.cmpi slt, %add3A_77, %lt3A : i32
      %convert_element_type3A_79 = arith.extui %lt3A_78 : i1 to i32
      %cond3A_80 = arith.constant 0 : i32
      %cond3A_81 = arith.cmpi ne, %convert_element_type3A_79, %cond3A_80 : i32
      scf.if %cond3A_81 {
        %add3A_172 = arith.constant 2 : i32
        %add3A_173 = arith.addi %add3A_57, %add3A_172 : i32
        %dma_start3A_174 = arith.constant 0 : i32
        %dma_start3A_175 = tpu.memref_slice %arg6[%add3A_173, %dma_start3A_174] : memref<160x128xi32, #tpu.memory_space<vmem>> -> memref<1x128xi32, #tpu.memory_space<vmem>>
        %dma_start3A_176 = tpu.memref_squeeze %dma_start3A_175 : memref<1x128xi32, #tpu.memory_space<vmem>> -> memref<128xi32, #tpu.memory_space<vmem>>
        %dma_start3A_177 = arith.constant 0 : i32
        %dma_start3A_178 = arith.constant 0 : i32
        %dma_start3A_179 = tpu.memref_slice %arg2[%arg0, %dma_start3A_177, %dma_start3A_178] : memref<2x10240x64xf32, #tpu.memory_space<hbm>> -> memref<1x10240x64xf32, #tpu.memory_space<hbm>>
        %dma_start3A_180 = tpu.memref_squeeze %dma_start3A_179 : memref<1x10240x64xf32, #tpu.memory_space<hbm>> -> memref<10240x64xf32, #tpu.memory_space<hbm>>
        %dma_start3A_181 = arith.constant 0 : i32
        %dma_start3A_182 = arith.constant 0 : i32
        %dma_start3A_183 = tpu.memref_slice %dma_start3A_180[%dma_start3A_181, %dma_start3A_182] : memref<10240x64xf32, #tpu.memory_space<hbm>> -> memref<10240x64xf32, #tpu.memory_space<hbm>>
        tpu.enqueue_indirect_dma source(%dma_start3A_183 : memref<10240x64xf32, #tpu.memory_space<hbm>>) target(%arg10 : memref<128x64xf32, #tpu.memory_space<vmem>>) offsets(%dma_start3A_176 : memref<128xi32, #tpu.memory_space<vmem>>) semaphore(%arg14 : memref<!tpu.dma_semaphore, #tpu.memory_space<semaphore_mem>>)
      } else {
      }
      %add3A_82 = arith.constant 1 : i32
      %add3A_83 = arith.addi %add3A_55, %add3A_82 : i32
      %dma_wait3A_84 = arith.constant 0 : i32
      %dma_wait3A_85 = tpu.memref_slice %arg6[%add3A_83, %dma_wait3A_84] : memref<160x128xi32, #tpu.memory_space<vmem>> -> memref<1x128xi32, #tpu.memory_space<vmem>>
      %dma_wait3A_86 = tpu.memref_squeeze %dma_wait3A_85 : memref<1x128xi32, #tpu.memory_space<vmem>> -> memref<128xi32, #tpu.memory_space<vmem>>
      %dma_wait3A_87 = arith.constant 0 : i32
      %dma_wait3A_88 = arith.constant 0 : i32
      %dma_wait3A_89 = tpu.memref_slice %arg2[%arg0, %dma_wait3A_87, %dma_wait3A_88] : memref<2x10240x64xf32, #tpu.memory_space<hbm>> -> memref<1x10240x64xf32, #tpu.memory_space<hbm>>
      %dma_wait3A_90 = tpu.memref_squeeze %dma_wait3A_89 : memref<1x10240x64xf32, #tpu.memory_space<hbm>> -> memref<10240x64xf32, #tpu.memory_space<hbm>>
      %dma_wait3A_91 = arith.constant 0 : i32
      %dma_wait3A_92 = arith.constant 0 : i32
      %dma_wait3A_93 = tpu.memref_slice %dma_wait3A_90[%dma_wait3A_91, %dma_wait3A_92] : memref<10240x64xf32, #tpu.memory_space<hbm>> -> memref<10240x64xf32, #tpu.memory_space<hbm>>
      tpu.wait_indirect_dma semaphore(%arg14 : memref<!tpu.dma_semaphore, #tpu.memory_space<semaphore_mem>>) src(%dma_wait3A_93 : memref<10240x64xf32, #tpu.memory_space<hbm>>) dst(%arg9 : memref<128x64xf32, #tpu.memory_space<vmem>>)
      %dma_start3A_94 = arith.constant 0 : i32
      %dma_start3A_95 = tpu.memref_slice %arg7[%add3A_83, %dma_start3A_94] : memref<160x128xi32, #tpu.memory_space<vmem>> -> memref<1x128xi32, #tpu.memory_space<vmem>>
      %dma_start3A_96 = tpu.memref_squeeze %dma_start3A_95 : memref<1x128xi32, #tpu.memory_space<vmem>> -> memref<128xi32, #tpu.memory_space<vmem>>
      %dma_start3A_97 = arith.constant 0 : i32
      %dma_start3A_98 = arith.constant 0 : i32
      %dma_start3A_99 = tpu.memref_slice %arg13[%dma_start3A_97, %dma_start3A_98] : memref<10240x64xf32, #tpu.memory_space<vmem_shared>> -> memref<10240x64xf32, #tpu.memory_space<vmem_shared>>
      tpu.enqueue_indirect_dma source(%arg9 : memref<128x64xf32, #tpu.memory_space<vmem>>) target(%dma_start3A_99 : memref<10240x64xf32, #tpu.memory_space<vmem_shared>>) offsets(%dma_start3A_96 : memref<128xi32, #tpu.memory_space<vmem>>) semaphore(%arg15 : memref<!tpu.dma_semaphore, #tpu.memory_space<semaphore_mem>>) {add = true}
      %ge3A_100 = arith.constant 2 : i32
      %ge3A_101 = arith.cmpi sge, %add3A_83, %ge3A_100 : i32
      %convert_element_type3A_102 = arith.extui %ge3A_101 : i1 to i32
      %cond3A_103 = arith.constant 0 : i32
      %cond3A_104 = arith.cmpi ne, %convert_element_type3A_102, %cond3A_103 : i32
      scf.if %cond3A_104 {
        %dma_wait3A_172 = arith.constant 0 : i32
        %dma_wait3A_173 = tpu.memref_slice %arg7[%add3A_83, %dma_wait3A_172] : memref<160x128xi32, #tpu.memory_space<vmem>> -> memref<1x128xi32, #tpu.memory_space<vmem>>
        %dma_wait3A_174 = tpu.memref_squeeze %dma_wait3A_173 : memref<1x128xi32, #tpu.memory_space<vmem>> -> memref<128xi32, #tpu.memory_space<vmem>>
        %dma_wait3A_175 = arith.constant 0 : i32
        %dma_wait3A_176 = arith.constant 0 : i32
        %dma_wait3A_177 = tpu.memref_slice %arg13[%dma_wait3A_175, %dma_wait3A_176] : memref<10240x64xf32, #tpu.memory_space<vmem_shared>> -> memref<10240x64xf32, #tpu.memory_space<vmem_shared>>
        tpu.wait_indirect_dma semaphore(%arg15 : memref<!tpu.dma_semaphore, #tpu.memory_space<semaphore_mem>>) src(%arg11 : memref<128x64xf32, #tpu.memory_space<vmem>>) dst(%dma_wait3A_177 : memref<10240x64xf32, #tpu.memory_space<vmem_shared>>)
      } else {
      }
      %add3A_105 = arith.constant 2 : i32
      %add3A_106 = arith.addi %add3A_83, %add3A_105 : i32
      %lt3A_107 = arith.constant 160 : i32
      %lt3A_108 = arith.cmpi slt, %add3A_106, %lt3A_107 : i32
      %convert_element_type3A_109 = arith.extui %lt3A_108 : i1 to i32
      %cond3A_110 = arith.constant 0 : i32
      %cond3A_111 = arith.cmpi ne, %convert_element_type3A_109, %cond3A_110 : i32
      scf.if %cond3A_111 {
        %add3A_172 = arith.constant 2 : i32
        %add3A_173 = arith.addi %add3A_83, %add3A_172 : i32
        %dma_start3A_174 = arith.constant 0 : i32
        %dma_start3A_175 = tpu.memref_slice %arg6[%add3A_173, %dma_start3A_174] : memref<160x128xi32, #tpu.memory_space<vmem>> -> memref<1x128xi32, #tpu.memory_space<vmem>>
        %dma_start3A_176 = tpu.memref_squeeze %dma_start3A_175 : memref<1x128xi32, #tpu.memory_space<vmem>> -> memref<128xi32, #tpu.memory_space<vmem>>
        %dma_start3A_177 = arith.constant 0 : i32
        %dma_start3A_178 = arith.constant 0 : i32
        %dma_start3A_179 = tpu.memref_slice %arg2[%arg0, %dma_start3A_177, %dma_start3A_178] : memref<2x10240x64xf32, #tpu.memory_space<hbm>> -> memref<1x10240x64xf32, #tpu.memory_space<hbm>>
        %dma_start3A_180 = tpu.memref_squeeze %dma_start3A_179 : memref<1x10240x64xf32, #tpu.memory_space<hbm>> -> memref<10240x64xf32, #tpu.memory_space<hbm>>
        %dma_start3A_181 = arith.constant 0 : i32
        %dma_start3A_182 = arith.constant 0 : i32
        %dma_start3A_183 = tpu.memref_slice %dma_start3A_180[%dma_start3A_181, %dma_start3A_182] : memref<10240x64xf32, #tpu.memory_space<hbm>> -> memref<10240x64xf32, #tpu.memory_space<hbm>>
        tpu.enqueue_indirect_dma source(%dma_start3A_183 : memref<10240x64xf32, #tpu.memory_space<hbm>>) target(%arg11 : memref<128x64xf32, #tpu.memory_space<vmem>>) offsets(%dma_start3A_176 : memref<128xi32, #tpu.memory_space<vmem>>) semaphore(%arg14 : memref<!tpu.dma_semaphore, #tpu.memory_space<semaphore_mem>>)
      } else {
      }
      %add3A_112 = arith.constant 2 : i32
      %add3A_113 = arith.addi %add3A_55, %add3A_112 : i32
      %dma_wait3A_114 = arith.constant 0 : i32
      %dma_wait3A_115 = tpu.memref_slice %arg6[%add3A_113, %dma_wait3A_114] : memref<160x128xi32, #tpu.memory_space<vmem>> -> memref<1x128xi32, #tpu.memory_space<vmem>>
      %dma_wait3A_116 = tpu.memref_squeeze %dma_wait3A_115 : memref<1x128xi32, #tpu.memory_space<vmem>> -> memref<128xi32, #tpu.memory_space<vmem>>
      %dma_wait3A_117 = arith.constant 0 : i32
      %dma_wait3A_118 = arith.constant 0 : i32
      %dma_wait3A_119 = tpu.memref_slice %arg2[%arg0, %dma_wait3A_117, %dma_wait3A_118] : memref<2x10240x64xf32, #tpu.memory_space<hbm>> -> memref<1x10240x64xf32, #tpu.memory_space<hbm>>
      %dma_wait3A_120 = tpu.memref_squeeze %dma_wait3A_119 : memref<1x10240x64xf32, #tpu.memory_space<hbm>> -> memref<10240x64xf32, #tpu.memory_space<hbm>>
      %dma_wait3A_121 = arith.constant 0 : i32
      %dma_wait3A_122 = arith.constant 0 : i32
      %dma_wait3A_123 = tpu.memref_slice %dma_wait3A_120[%dma_wait3A_121, %dma_wait3A_122] : memref<10240x64xf32, #tpu.memory_space<hbm>> -> memref<10240x64xf32, #tpu.memory_space<hbm>>
      tpu.wait_indirect_dma semaphore(%arg14 : memref<!tpu.dma_semaphore, #tpu.memory_space<semaphore_mem>>) src(%dma_wait3A_123 : memref<10240x64xf32, #tpu.memory_space<hbm>>) dst(%arg10 : memref<128x64xf32, #tpu.memory_space<vmem>>)
      %dma_start3A_124 = arith.constant 0 : i32
      %dma_start3A_125 = tpu.memref_slice %arg7[%add3A_113, %dma_start3A_124] : memref<160x128xi32, #tpu.memory_space<vmem>> -> memref<1x128xi32, #tpu.memory_space<vmem>>
      %dma_start3A_126 = tpu.memref_squeeze %dma_start3A_125 : memref<1x128xi32, #tpu.memory_space<vmem>> -> memref<128xi32, #tpu.memory_space<vmem>>
      %dma_start3A_127 = arith.constant 0 : i32
      %dma_start3A_128 = arith.constant 0 : i32
      %dma_start3A_129 = tpu.memref_slice %arg13[%dma_start3A_127, %dma_start3A_128] : memref<10240x64xf32, #tpu.memory_space<vmem_shared>> -> memref<10240x64xf32, #tpu.memory_space<vmem_shared>>
      tpu.enqueue_indirect_dma source(%arg10 : memref<128x64xf32, #tpu.memory_space<vmem>>) target(%dma_start3A_129 : memref<10240x64xf32, #tpu.memory_space<vmem_shared>>) offsets(%dma_start3A_126 : memref<128xi32, #tpu.memory_space<vmem>>) semaphore(%arg15 : memref<!tpu.dma_semaphore, #tpu.memory_space<semaphore_mem>>) {add = true}
      %ge3A_130 = arith.constant 2 : i32
      %ge3A_131 = arith.cmpi sge, %add3A_113, %ge3A_130 : i32
      %convert_element_type3A_132 = arith.extui %ge3A_131 : i1 to i32
      %cond3A_133 = arith.constant 0 : i32
      %cond3A_134 = arith.cmpi ne, %convert_element_type3A_132, %cond3A_133 : i32
      scf.if %cond3A_134 {
        %dma_wait3A_172 = arith.constant 0 : i32
        %dma_wait3A_173 = tpu.memref_slice %arg7[%add3A_113, %dma_wait3A_172] : memref<160x128xi32, #tpu.memory_space<vmem>> -> memref<1x128xi32, #tpu.memory_space<vmem>>
        %dma_wait3A_174 = tpu.memref_squeeze %dma_wait3A_173 : memref<1x128xi32, #tpu.memory_space<vmem>> -> memref<128xi32, #tpu.memory_space<vmem>>
        %dma_wait3A_175 = arith.constant 0 : i32
        %dma_wait3A_176 = arith.constant 0 : i32
        %dma_wait3A_177 = tpu.memref_slice %arg13[%dma_wait3A_175, %dma_wait3A_176] : memref<10240x64xf32, #tpu.memory_space<vmem_shared>> -> memref<10240x64xf32, #tpu.memory_space<vmem_shared>>
        tpu.wait_indirect_dma semaphore(%arg15 : memref<!tpu.dma_semaphore, #tpu.memory_space<semaphore_mem>>) src(%arg8 : memref<128x64xf32, #tpu.memory_space<vmem>>) dst(%dma_wait3A_177 : memref<10240x64xf32, #tpu.memory_space<vmem_shared>>)
      } else {
      }
      %add3A_135 = arith.constant 2 : i32
      %add3A_136 = arith.addi %add3A_113, %add3A_135 : i32
      %lt3A_137 = arith.constant 160 : i32
      %lt3A_138 = arith.cmpi slt, %add3A_136, %lt3A_137 : i32
      %convert_element_type3A_139 = arith.extui %lt3A_138 : i1 to i32
      %cond3A_140 = arith.constant 0 : i32
      %cond3A_141 = arith.cmpi ne, %convert_element_type3A_139, %cond3A_140 : i32
      scf.if %cond3A_141 {
        %add3A_172 = arith.constant 2 : i32
        %add3A_173 = arith.addi %add3A_113, %add3A_172 : i32
        %dma_start3A_174 = arith.constant 0 : i32
        %dma_start3A_175 = tpu.memref_slice %arg6[%add3A_173, %dma_start3A_174] : memref<160x128xi32, #tpu.memory_space<vmem>> -> memref<1x128xi32, #tpu.memory_space<vmem>>
        %dma_start3A_176 = tpu.memref_squeeze %dma_start3A_175 : memref<1x128xi32, #tpu.memory_space<vmem>> -> memref<128xi32, #tpu.memory_space<vmem>>
        %dma_start3A_177 = arith.constant 0 : i32
        %dma_start3A_178 = arith.constant 0 : i32
        %dma_start3A_179 = tpu.memref_slice %arg2[%arg0, %dma_start3A_177, %dma_start3A_178] : memref<2x10240x64xf32, #tpu.memory_space<hbm>> -> memref<1x10240x64xf32, #tpu.memory_space<hbm>>
        %dma_start3A_180 = tpu.memref_squeeze %dma_start3A_179 : memref<1x10240x64xf32, #tpu.memory_space<hbm>> -> memref<10240x64xf32, #tpu.memory_space<hbm>>
        %dma_start3A_181 = arith.constant 0 : i32
        %dma_start3A_182 = arith.constant 0 : i32
        %dma_start3A_183 = tpu.memref_slice %dma_start3A_180[%dma_start3A_181, %dma_start3A_182] : memref<10240x64xf32, #tpu.memory_space<hbm>> -> memref<10240x64xf32, #tpu.memory_space<hbm>>
        tpu.enqueue_indirect_dma source(%dma_start3A_183 : memref<10240x64xf32, #tpu.memory_space<hbm>>) target(%arg8 : memref<128x64xf32, #tpu.memory_space<vmem>>) offsets(%dma_start3A_176 : memref<128xi32, #tpu.memory_space<vmem>>) semaphore(%arg14 : memref<!tpu.dma_semaphore, #tpu.memory_space<semaphore_mem>>)
      } else {
      }
      %add3A_142 = arith.constant 3 : i32
      %add3A_143 = arith.addi %add3A_55, %add3A_142 : i32
      %dma_wait3A_144 = arith.constant 0 : i32
      %dma_wait3A_145 = tpu.memref_slice %arg6[%add3A_143, %dma_wait3A_144] : memref<160x128xi32, #tpu.memory_space<vmem>> -> memref<1x128xi32, #tpu.memory_space<vmem>>
      %dma_wait3A_146 = tpu.memref_squeeze %dma_wait3A_145 : memref<1x128xi32, #tpu.memory_space<vmem>> -> memref<128xi32, #tpu.memory_space<vmem>>
      %dma_wait3A_147 = arith.constant 0 : i32
      %dma_wait3A_148 = arith.constant 0 : i32
      %dma_wait3A_149 = tpu.memref_slice %arg2[%arg0, %dma_wait3A_147, %dma_wait3A_148] : memref<2x10240x64xf32, #tpu.memory_space<hbm>> -> memref<1x10240x64xf32, #tpu.memory_space<hbm>>
      %dma_wait3A_150 = tpu.memref_squeeze %dma_wait3A_149 : memref<1x10240x64xf32, #tpu.memory_space<hbm>> -> memref<10240x64xf32, #tpu.memory_space<hbm>>
      %dma_wait3A_151 = arith.constant 0 : i32
      %dma_wait3A_152 = arith.constant 0 : i32
      %dma_wait3A_153 = tpu.memref_slice %dma_wait3A_150[%dma_wait3A_151, %dma_wait3A_152] : memref<10240x64xf32, #tpu.memory_space<hbm>> -> memref<10240x64xf32, #tpu.memory_space<hbm>>
      tpu.wait_indirect_dma semaphore(%arg14 : memref<!tpu.dma_semaphore, #tpu.memory_space<semaphore_mem>>) src(%dma_wait3A_153 : memref<10240x64xf32, #tpu.memory_space<hbm>>) dst(%arg11 : memref<128x64xf32, #tpu.memory_space<vmem>>)
      %dma_start3A_154 = arith.constant 0 : i32
      %dma_start3A_155 = tpu.memref_slice %arg7[%add3A_143, %dma_start3A_154] : memref<160x128xi32, #tpu.memory_space<vmem>> -> memref<1x128xi32, #tpu.memory_space<vmem>>
      %dma_start3A_156 = tpu.memref_squeeze %dma_start3A_155 : memref<1x128xi32, #tpu.memory_space<vmem>> -> memref<128xi32, #tpu.memory_space<vmem>>
      %dma_start3A_157 = arith.constant 0 : i32
      %dma_start3A_158 = arith.constant 0 : i32
      %dma_start3A_159 = tpu.memref_slice %arg13[%dma_start3A_157, %dma_start3A_158] : memref<10240x64xf32, #tpu.memory_space<vmem_shared>> -> memref<10240x64xf32, #tpu.memory_space<vmem_shared>>
      tpu.enqueue_indirect_dma source(%arg11 : memref<128x64xf32, #tpu.memory_space<vmem>>) target(%dma_start3A_159 : memref<10240x64xf32, #tpu.memory_space<vmem_shared>>) offsets(%dma_start3A_156 : memref<128xi32, #tpu.memory_space<vmem>>) semaphore(%arg15 : memref<!tpu.dma_semaphore, #tpu.memory_space<semaphore_mem>>) {add = true}
      %ge3A_160 = arith.constant 2 : i32
      %ge3A_161 = arith.cmpi sge, %add3A_143, %ge3A_160 : i32
      %convert_element_type3A_162 = arith.extui %ge3A_161 : i1 to i32
      %cond3A_163 = arith.constant 0 : i32
      %cond3A_164 = arith.cmpi ne, %convert_element_type3A_162, %cond3A_163 : i32
      scf.if %cond3A_164 {
        %dma_wait3A_172 = arith.constant 0 : i32
        %dma_wait3A_173 = tpu.memref_slice %arg7[%add3A_143, %dma_wait3A_172] : memref<160x128xi32, #tpu.memory_space<vmem>> -> memref<1x128xi32, #tpu.memory_space<vmem>>
        %dma_wait3A_174 = tpu.memref_squeeze %dma_wait3A_173 : memref<1x128xi32, #tpu.memory_space<vmem>> -> memref<128xi32, #tpu.memory_space<vmem>>
        %dma_wait3A_175 = arith.constant 0 : i32
        %dma_wait3A_176 = arith.constant 0 : i32
        %dma_wait3A_177 = tpu.memref_slice %arg13[%dma_wait3A_175, %dma_wait3A_176] : memref<10240x64xf32, #tpu.memory_space<vmem_shared>> -> memref<10240x64xf32, #tpu.memory_space<vmem_shared>>
        tpu.wait_indirect_dma semaphore(%arg15 : memref<!tpu.dma_semaphore, #tpu.memory_space<semaphore_mem>>) src(%arg9 : memref<128x64xf32, #tpu.memory_space<vmem>>) dst(%dma_wait3A_177 : memref<10240x64xf32, #tpu.memory_space<vmem_shared>>)
      } else {
      }
      %add3A_165 = arith.constant 2 : i32
      %add3A_166 = arith.addi %add3A_143, %add3A_165 : i32
      %lt3A_167 = arith.constant 160 : i32
      %lt3A_168 = arith.cmpi slt, %add3A_166, %lt3A_167 : i32
      %convert_element_type3A_169 = arith.extui %lt3A_168 : i1 to i32
      %cond3A_170 = arith.constant 0 : i32
      %cond3A_171 = arith.cmpi ne, %convert_element_type3A_169, %cond3A_170 : i32
      scf.if %cond3A_171 {
        %add3A_172 = arith.constant 2 : i32
        %add3A_173 = arith.addi %add3A_143, %add3A_172 : i32
        %dma_start3A_174 = arith.constant 0 : i32
        %dma_start3A_175 = tpu.memref_slice %arg6[%add3A_173, %dma_start3A_174] : memref<160x128xi32, #tpu.memory_space<vmem>> -> memref<1x128xi32, #tpu.memory_space<vmem>>
        %dma_start3A_176 = tpu.memref_squeeze %dma_start3A_175 : memref<1x128xi32, #tpu.memory_space<vmem>> -> memref<128xi32, #tpu.memory_space<vmem>>
        %dma_start3A_177 = arith.constant 0 : i32
        %dma_start3A_178 = arith.constant 0 : i32
        %dma_start3A_179 = tpu.memref_slice %arg2[%arg0, %dma_start3A_177, %dma_start3A_178] : memref<2x10240x64xf32, #tpu.memory_space<hbm>> -> memref<1x10240x64xf32, #tpu.memory_space<hbm>>
        %dma_start3A_180 = tpu.memref_squeeze %dma_start3A_179 : memref<1x10240x64xf32, #tpu.memory_space<hbm>> -> memref<10240x64xf32, #tpu.memory_space<hbm>>
        %dma_start3A_181 = arith.constant 0 : i32
        %dma_start3A_182 = arith.constant 0 : i32
        %dma_start3A_183 = tpu.memref_slice %dma_start3A_180[%dma_start3A_181, %dma_start3A_182] : memref<10240x64xf32, #tpu.memory_space<hbm>> -> memref<10240x64xf32, #tpu.memory_space<hbm>>
        tpu.enqueue_indirect_dma source(%dma_start3A_183 : memref<10240x64xf32, #tpu.memory_space<hbm>>) target(%arg9 : memref<128x64xf32, #tpu.memory_space<vmem>>) offsets(%dma_start3A_176 : memref<128xi32, #tpu.memory_space<vmem>>) semaphore(%arg14 : memref<!tpu.dma_semaphore, #tpu.memory_space<semaphore_mem>>)
      } else {
      }
    }
    %scan3A_34 = arith.constant 40 : i32
    %dma_wait3A = arith.constant 0 : i32
    %dma_wait3A_35 = arith.constant 0 : i32
    %dma_wait3A_36 = tpu.memref_slice %arg7[%dma_wait3A, %dma_wait3A_35] : memref<160x128xi32, #tpu.memory_space<vmem>> -> memref<1x128xi32, #tpu.memory_space<vmem>>
    %dma_wait3A_37 = tpu.memref_squeeze %dma_wait3A_36 : memref<1x128xi32, #tpu.memory_space<vmem>> -> memref<128xi32, #tpu.memory_space<vmem>>
    %dma_wait3A_38 = arith.constant 0 : i32
    %dma_wait3A_39 = arith.constant 0 : i32
    %dma_wait3A_40 = tpu.memref_slice %arg13[%dma_wait3A_38, %dma_wait3A_39] : memref<10240x64xf32, #tpu.memory_space<vmem_shared>> -> memref<10240x64xf32, #tpu.memory_space<vmem_shared>>
    tpu.wait_indirect_dma semaphore(%arg15 : memref<!tpu.dma_semaphore, #tpu.memory_space<semaphore_mem>>) src(%arg8 : memref<128x64xf32, #tpu.memory_space<vmem>>) dst(%dma_wait3A_40 : memref<10240x64xf32, #tpu.memory_space<vmem_shared>>)
    %dma_wait3A_41 = arith.constant 1 : i32
    %dma_wait3A_42 = arith.constant 0 : i32
    %dma_wait3A_43 = tpu.memref_slice %arg7[%dma_wait3A_41, %dma_wait3A_42] : memref<160x128xi32, #tpu.memory_space<vmem>> -> memref<1x128xi32, #tpu.memory_space<vmem>>
    %dma_wait3A_44 = tpu.memref_squeeze %dma_wait3A_43 : memref<1x128xi32, #tpu.memory_space<vmem>> -> memref<128xi32, #tpu.memory_space<vmem>>
    %dma_wait3A_45 = arith.constant 0 : i32
    %dma_wait3A_46 = arith.constant 0 : i32
    %dma_wait3A_47 = tpu.memref_slice %arg13[%dma_wait3A_45, %dma_wait3A_46] : memref<10240x64xf32, #tpu.memory_space<vmem_shared>> -> memref<10240x64xf32, #tpu.memory_space<vmem_shared>>
    tpu.wait_indirect_dma semaphore(%arg15 : memref<!tpu.dma_semaphore, #tpu.memory_space<semaphore_mem>>) src(%arg9 : memref<128x64xf32, #tpu.memory_space<vmem>>) dst(%dma_wait3A_47 : memref<10240x64xf32, #tpu.memory_space<vmem_shared>>)
    %barrier3A_48 = arith.constant 0 : index
    tpu.barrier barrier_id(%barrier3A_48)
    %mul3A = arith.constant 640 : i32
    %mul3A_49 = arith.muli %arg1, %mul3A : i32
    %mul3A_50 = arith.constant 640 : i32
    %mul3A_51 = arith.muli %arg1, %mul3A_50 : i32
    "tpu.region"() ({
      %run_scoped3A = tpu.sem_alloc : memref<!tpu.dma_semaphore, #tpu.memory_space<semaphore_mem>>
      %dma_start3A_52 = arith.constant 0 : i32
      %dma_start3A_53 = tpu.memref_slice %arg5[%arg0, %mul3A_51, %dma_start3A_52] : memref<2x10240x64xf32, #tpu.memory_space<hbm>> -> memref<1x640x64xf32, #tpu.memory_space<hbm>>
      %dma_start3A_54 = tpu.memref_squeeze %dma_start3A_53 : memref<1x640x64xf32, #tpu.memory_space<hbm>> -> memref<640x64xf32, #tpu.memory_space<hbm>>
      %dma_start3A_55 = arith.constant 0 : i32
      %dma_start3A_56 = tpu.memref_slice %arg13[%mul3A_49, %dma_start3A_55] : memref<10240x64xf32, #tpu.memory_space<vmem_shared>> -> memref<640x64xf32, #tpu.memory_space<vmem_shared>>
      tpu.enqueue_dma source(%dma_start3A_56 : memref<640x64xf32, #tpu.memory_space<vmem_shared>>) target(%dma_start3A_54 : memref<640x64xf32, #tpu.memory_space<hbm>>) target_semaphore(%run_scoped3A : memref<!tpu.dma_semaphore, #tpu.memory_space<semaphore_mem>>)
      %dma_wait3A_57 = arith.constant 0 : i32
      %dma_wait3A_58 = tpu.memref_slice %arg5[%arg0, %mul3A_51, %dma_wait3A_57] : memref<2x10240x64xf32, #tpu.memory_space<hbm>> -> memref<1x640x64xf32, #tpu.memory_space<hbm>>
      %dma_wait3A_59 = tpu.memref_squeeze %dma_wait3A_58 : memref<1x640x64xf32, #tpu.memory_space<hbm>> -> memref<640x64xf32, #tpu.memory_space<hbm>>
      %dma_wait3A_60 = arith.constant 0 : i32
      %dma_wait3A_61 = tpu.memref_slice %arg13[%mul3A_49, %dma_wait3A_60] : memref<10240x64xf32, #tpu.memory_space<vmem_shared>> -> memref<640x64xf32, #tpu.memory_space<vmem_shared>>
      tpu.wait_dma2 semaphore(%run_scoped3A : memref<!tpu.dma_semaphore, #tpu.memory_space<semaphore_mem>>) src(%dma_wait3A_61 : memref<640x64xf32, #tpu.memory_space<vmem_shared>>) dst(%dma_wait3A_59 : memref<640x64xf32, #tpu.memory_space<hbm>>)
      tpu.yield
    }) : () -> ()
    return
  }
}

#map = affine_map<(d0, d1) -> (0, 0, 0)>
#map1 = affine_map<(d0, d1) -> (0, 0, 0, 0)>
module attributes {stable_mosaic.version = 14 : i64} {
  func.func @_deg_body(%arg0: i32, %arg1: i32, %arg2: memref<32x80x128xi32, #tpu.memory_space<hbm>>, %arg3: memref<32x80x128xi32, #tpu.memory_space<hbm>>, %arg4: memref<2x16x2x10240xf32, #tpu.memory_space<hbm>>, %arg5: memref<80x128xi32, #tpu.memory_space<vmem>>, %arg6: memref<80x128xi32, #tpu.memory_space<vmem>>, %arg7: memref<10240xf32, #tpu.memory_space<vmem>>, %arg8: memref<10240xf32, #tpu.memory_space<vmem>>) attributes {dimension_semantics = [#tpu.dimension_semantics<core_parallel>, #tpu.dimension_semantics<subcore_parallel>], iteration_bounds = array<i64: 2, 16>, scalar_prefetch = 0 : i64, scratch_operands = 4 : i64, tpu.core_type = #tpu.core_type<sc_vector_subcore>, window_params = [{transform_indices = #map}, {transform_indices = #map}, {transform_indices = #map1}]} {
    %mul3A = arith.constant 16 : i32
    %mul3A_0 = arith.muli %arg0, %mul3A : i32
    %add3A = arith.addi %mul3A_0, %arg1 : i32
    "tpu.region"() ({
      %run_scoped3A_12 = tpu.sem_alloc : memref<!tpu.dma_semaphore, #tpu.memory_space<semaphore_mem>>
      %dma_start3A = arith.constant 0 : i32
      %dma_start3A_13 = arith.constant 0 : i32
      %dma_start3A_14 = tpu.memref_slice %arg2[%add3A, %dma_start3A, %dma_start3A_13] : memref<32x80x128xi32, #tpu.memory_space<hbm>> -> memref<1x80x128xi32, #tpu.memory_space<hbm>>
      %dma_start3A_15 = tpu.memref_squeeze %dma_start3A_14 : memref<1x80x128xi32, #tpu.memory_space<hbm>> -> memref<80x128xi32, #tpu.memory_space<hbm>>
      %dma_start3A_16 = arith.constant 0 : i32
      %dma_start3A_17 = arith.constant 0 : i32
      %dma_start3A_18 = tpu.memref_slice %arg2[%add3A, %dma_start3A_16, %dma_start3A_17] : memref<32x80x128xi32, #tpu.memory_space<hbm>> -> memref<1x80x128xi32, #tpu.memory_space<hbm>>
      %dma_start3A_19 = tpu.memref_squeeze %dma_start3A_18 : memref<1x80x128xi32, #tpu.memory_space<hbm>> -> memref<80x128xi32, #tpu.memory_space<hbm>>
      tpu.enqueue_dma source(%dma_start3A_19 : memref<80x128xi32, #tpu.memory_space<hbm>>) target(%arg5 : memref<80x128xi32, #tpu.memory_space<vmem>>) target_semaphore(%run_scoped3A_12 : memref<!tpu.dma_semaphore, #tpu.memory_space<semaphore_mem>>)
      %dma_wait3A = arith.constant 0 : i32
      %dma_wait3A_20 = arith.constant 0 : i32
      %dma_wait3A_21 = tpu.memref_slice %arg2[%add3A, %dma_wait3A, %dma_wait3A_20] : memref<32x80x128xi32, #tpu.memory_space<hbm>> -> memref<1x80x128xi32, #tpu.memory_space<hbm>>
      %dma_wait3A_22 = tpu.memref_squeeze %dma_wait3A_21 : memref<1x80x128xi32, #tpu.memory_space<hbm>> -> memref<80x128xi32, #tpu.memory_space<hbm>>
      %dma_wait3A_23 = arith.constant 0 : i32
      %dma_wait3A_24 = arith.constant 0 : i32
      %dma_wait3A_25 = tpu.memref_slice %arg2[%add3A, %dma_wait3A_23, %dma_wait3A_24] : memref<32x80x128xi32, #tpu.memory_space<hbm>> -> memref<1x80x128xi32, #tpu.memory_space<hbm>>
      %dma_wait3A_26 = tpu.memref_squeeze %dma_wait3A_25 : memref<1x80x128xi32, #tpu.memory_space<hbm>> -> memref<80x128xi32, #tpu.memory_space<hbm>>
      tpu.wait_dma2 semaphore(%run_scoped3A_12 : memref<!tpu.dma_semaphore, #tpu.memory_space<semaphore_mem>>) src(%dma_wait3A_26 : memref<80x128xi32, #tpu.memory_space<hbm>>) dst(%arg5 : memref<80x128xi32, #tpu.memory_space<vmem>>)
      tpu.yield
    }) : () -> ()
    "tpu.region"() ({
      %run_scoped3A_12 = tpu.sem_alloc : memref<!tpu.dma_semaphore, #tpu.memory_space<semaphore_mem>>
      %dma_start3A = arith.constant 0 : i32
      %dma_start3A_13 = arith.constant 0 : i32
      %dma_start3A_14 = tpu.memref_slice %arg3[%add3A, %dma_start3A, %dma_start3A_13] : memref<32x80x128xi32, #tpu.memory_space<hbm>> -> memref<1x80x128xi32, #tpu.memory_space<hbm>>
      %dma_start3A_15 = tpu.memref_squeeze %dma_start3A_14 : memref<1x80x128xi32, #tpu.memory_space<hbm>> -> memref<80x128xi32, #tpu.memory_space<hbm>>
      %dma_start3A_16 = arith.constant 0 : i32
      %dma_start3A_17 = arith.constant 0 : i32
      %dma_start3A_18 = tpu.memref_slice %arg3[%add3A, %dma_start3A_16, %dma_start3A_17] : memref<32x80x128xi32, #tpu.memory_space<hbm>> -> memref<1x80x128xi32, #tpu.memory_space<hbm>>
      %dma_start3A_19 = tpu.memref_squeeze %dma_start3A_18 : memref<1x80x128xi32, #tpu.memory_space<hbm>> -> memref<80x128xi32, #tpu.memory_space<hbm>>
      tpu.enqueue_dma source(%dma_start3A_19 : memref<80x128xi32, #tpu.memory_space<hbm>>) target(%arg6 : memref<80x128xi32, #tpu.memory_space<vmem>>) target_semaphore(%run_scoped3A_12 : memref<!tpu.dma_semaphore, #tpu.memory_space<semaphore_mem>>)
      %dma_wait3A = arith.constant 0 : i32
      %dma_wait3A_20 = arith.constant 0 : i32
      %dma_wait3A_21 = tpu.memref_slice %arg3[%add3A, %dma_wait3A, %dma_wait3A_20] : memref<32x80x128xi32, #tpu.memory_space<hbm>> -> memref<1x80x128xi32, #tpu.memory_space<hbm>>
      %dma_wait3A_22 = tpu.memref_squeeze %dma_wait3A_21 : memref<1x80x128xi32, #tpu.memory_space<hbm>> -> memref<80x128xi32, #tpu.memory_space<hbm>>
      %dma_wait3A_23 = arith.constant 0 : i32
      %dma_wait3A_24 = arith.constant 0 : i32
      %dma_wait3A_25 = tpu.memref_slice %arg3[%add3A, %dma_wait3A_23, %dma_wait3A_24] : memref<32x80x128xi32, #tpu.memory_space<hbm>> -> memref<1x80x128xi32, #tpu.memory_space<hbm>>
      %dma_wait3A_26 = tpu.memref_squeeze %dma_wait3A_25 : memref<1x80x128xi32, #tpu.memory_space<hbm>> -> memref<80x128xi32, #tpu.memory_space<hbm>>
      tpu.wait_dma2 semaphore(%run_scoped3A_12 : memref<!tpu.dma_semaphore, #tpu.memory_space<semaphore_mem>>) src(%dma_wait3A_26 : memref<80x128xi32, #tpu.memory_space<hbm>>) dst(%arg6 : memref<80x128xi32, #tpu.memory_space<vmem>>)
      tpu.yield
    }) : () -> ()
    %scan3A = arith.constant 0 : i32
    %scan3A_1 = arith.constant 640 : i32
    %scan3A_2 = arith.addi %scan3A, %scan3A_1 : i32
    %scan3A_3 = arith.constant 1 : i32
    scf.for %scan3A_12 = %scan3A to %scan3A_2 step %scan3A_3  : i32 {
      %mul3A_13 = arith.constant 1 : i32
      %mul3A_14 = arith.muli %scan3A_12, %mul3A_13 : i32
      %add3A_15 = arith.constant 0 : i32
      %add3A_16 = arith.addi %add3A_15, %mul3A_14 : i32
      %broadcast_in_dim3A_17 = arith.constant 0.000000e+00 : f32
      %broadcast_in_dim3A_18 = vector.broadcast %broadcast_in_dim3A_17 : f32 to vector<16xf32>
      %mul3A_19 = arith.constant 16 : i32
      %mul3A_20 = arith.muli %add3A_16, %mul3A_19 : i32
      %swap3A = arith.index_cast %mul3A_20 : i32 to index
      %swap3A_21 = tpu.vector_load %arg7[%swap3A] {strides = array<i32>} : memref<10240xf32, #tpu.memory_space<vmem>>, vector<16xf32>,
      tpu.vector_store %arg7[%swap3A], %broadcast_in_dim3A_18 {strides = array<i32>} : memref<10240xf32, #tpu.memory_space<vmem>>, vector<16xf32>,
      %broadcast_in_dim3A_22 = arith.constant 0.000000e+00 : f32
      %broadcast_in_dim3A_23 = vector.broadcast %broadcast_in_dim3A_22 : f32 to vector<16xf32>
      %mul3A_24 = arith.constant 16 : i32
      %mul3A_25 = arith.muli %add3A_16, %mul3A_24 : i32
      %swap3A_26 = arith.index_cast %mul3A_25 : i32 to index
      %swap3A_27 = tpu.vector_load %arg8[%swap3A_26] {strides = array<i32>} : memref<10240xf32, #tpu.memory_space<vmem>>, vector<16xf32>,
      tpu.vector_store %arg8[%swap3A_26], %broadcast_in_dim3A_23 {strides = array<i32>} : memref<10240xf32, #tpu.memory_space<vmem>>, vector<16xf32>,
    }
    %scan3A_4 = arith.constant 640 : i32
    %broadcast_in_dim3A = arith.constant 1.000000e+00 : f32
    %broadcast_in_dim3A_5 = vector.broadcast %broadcast_in_dim3A : f32 to vector<16xf32>
    %scan3A_6 = arith.constant 0 : i32
    %scan3A_7 = arith.constant 80 : i32
    %scan3A_8 = arith.addi %scan3A_6, %scan3A_7 : i32
    %scan3A_9 = arith.constant 1 : i32
    scf.for %scan3A_12 = %scan3A_6 to %scan3A_8 step %scan3A_9  : i32 {
      %mul3A_13 = arith.constant 1 : i32
      %mul3A_14 = arith.muli %scan3A_12, %mul3A_13 : i32
      %add3A_15 = arith.constant 0 : i32
      %add3A_16 = arith.addi %add3A_15, %mul3A_14 : i32
      %get3A = arith.index_cast %add3A_16 : i32 to index
      %get3A_17 = arith.constant 0 : index
      %get3A_18 = tpu.vector_load %arg5[%get3A, %get3A_17] {strides = array<i32>} : memref<80x128xi32, #tpu.memory_space<vmem>>, vector<16xi32>,
      %get3A_19 = arith.index_cast %add3A_16 : i32 to index
      %get3A_20 = arith.constant 0 : index
      %get3A_21 = tpu.vector_load %arg6[%get3A_19, %get3A_20] {strides = array<i32>} : memref<80x128xi32, #tpu.memory_space<vmem>>, vector<16xi32>,
      tpu.vector_store_idx %arg7[%get3A_18], %broadcast_in_dim3A_5 {add = true} : memref<10240xf32, #tpu.memory_space<vmem>>[vector<16xi32>], vector<16xf32>,
      tpu.vector_store_idx %arg8[%get3A_21], %broadcast_in_dim3A_5 {add = true} : memref<10240xf32, #tpu.memory_space<vmem>>[vector<16xi32>], vector<16xf32>,
      %get3A_22 = arith.index_cast %add3A_16 : i32 to index
      %get3A_23 = arith.constant 16 : index
      %get3A_24 = tpu.vector_load %arg5[%get3A_22, %get3A_23] {strides = array<i32>} : memref<80x128xi32, #tpu.memory_space<vmem>>, vector<16xi32>,
      %get3A_25 = arith.index_cast %add3A_16 : i32 to index
      %get3A_26 = arith.constant 16 : index
      %get3A_27 = tpu.vector_load %arg6[%get3A_25, %get3A_26] {strides = array<i32>} : memref<80x128xi32, #tpu.memory_space<vmem>>, vector<16xi32>,
      tpu.vector_store_idx %arg7[%get3A_24], %broadcast_in_dim3A_5 {add = true} : memref<10240xf32, #tpu.memory_space<vmem>>[vector<16xi32>], vector<16xf32>,
      tpu.vector_store_idx %arg8[%get3A_27], %broadcast_in_dim3A_5 {add = true} : memref<10240xf32, #tpu.memory_space<vmem>>[vector<16xi32>], vector<16xf32>,
      %get3A_28 = arith.index_cast %add3A_16 : i32 to index
      %get3A_29 = arith.constant 32 : index
      %get3A_30 = tpu.vector_load %arg5[%get3A_28, %get3A_29] {strides = array<i32>} : memref<80x128xi32, #tpu.memory_space<vmem>>, vector<16xi32>,
      %get3A_31 = arith.index_cast %add3A_16 : i32 to index
      %get3A_32 = arith.constant 32 : index
      %get3A_33 = tpu.vector_load %arg6[%get3A_31, %get3A_32] {strides = array<i32>} : memref<80x128xi32, #tpu.memory_space<vmem>>, vector<16xi32>,
      tpu.vector_store_idx %arg7[%get3A_30], %broadcast_in_dim3A_5 {add = true} : memref<10240xf32, #tpu.memory_space<vmem>>[vector<16xi32>], vector<16xf32>,
      tpu.vector_store_idx %arg8[%get3A_33], %broadcast_in_dim3A_5 {add = true} : memref<10240xf32, #tpu.memory_space<vmem>>[vector<16xi32>], vector<16xf32>,
      %get3A_34 = arith.index_cast %add3A_16 : i32 to index
      %get3A_35 = arith.constant 48 : index
      %get3A_36 = tpu.vector_load %arg5[%get3A_34, %get3A_35] {strides = array<i32>} : memref<80x128xi32, #tpu.memory_space<vmem>>, vector<16xi32>,
      %get3A_37 = arith.index_cast %add3A_16 : i32 to index
      %get3A_38 = arith.constant 48 : index
      %get3A_39 = tpu.vector_load %arg6[%get3A_37, %get3A_38] {strides = array<i32>} : memref<80x128xi32, #tpu.memory_space<vmem>>, vector<16xi32>,
      tpu.vector_store_idx %arg7[%get3A_36], %broadcast_in_dim3A_5 {add = true} : memref<10240xf32, #tpu.memory_space<vmem>>[vector<16xi32>], vector<16xf32>,
      tpu.vector_store_idx %arg8[%get3A_39], %broadcast_in_dim3A_5 {add = true} : memref<10240xf32, #tpu.memory_space<vmem>>[vector<16xi32>], vector<16xf32>,
      %get3A_40 = arith.index_cast %add3A_16 : i32 to index
      %get3A_41 = arith.constant 64 : index
      %get3A_42 = tpu.vector_load %arg5[%get3A_40, %get3A_41] {strides = array<i32>} : memref<80x128xi32, #tpu.memory_space<vmem>>, vector<16xi32>,
      %get3A_43 = arith.index_cast %add3A_16 : i32 to index
      %get3A_44 = arith.constant 64 : index
      %get3A_45 = tpu.vector_load %arg6[%get3A_43, %get3A_44] {strides = array<i32>} : memref<80x128xi32, #tpu.memory_space<vmem>>, vector<16xi32>,
      tpu.vector_store_idx %arg7[%get3A_42], %broadcast_in_dim3A_5 {add = true} : memref<10240xf32, #tpu.memory_space<vmem>>[vector<16xi32>], vector<16xf32>,
      tpu.vector_store_idx %arg8[%get3A_45], %broadcast_in_dim3A_5 {add = true} : memref<10240xf32, #tpu.memory_space<vmem>>[vector<16xi32>], vector<16xf32>,
      %get3A_46 = arith.index_cast %add3A_16 : i32 to index
      %get3A_47 = arith.constant 80 : index
      %get3A_48 = tpu.vector_load %arg5[%get3A_46, %get3A_47] {strides = array<i32>} : memref<80x128xi32, #tpu.memory_space<vmem>>, vector<16xi32>,
      %get3A_49 = arith.index_cast %add3A_16 : i32 to index
      %get3A_50 = arith.constant 80 : index
      %get3A_51 = tpu.vector_load %arg6[%get3A_49, %get3A_50] {strides = array<i32>} : memref<80x128xi32, #tpu.memory_space<vmem>>, vector<16xi32>,
      tpu.vector_store_idx %arg7[%get3A_48], %broadcast_in_dim3A_5 {add = true} : memref<10240xf32, #tpu.memory_space<vmem>>[vector<16xi32>], vector<16xf32>,
      tpu.vector_store_idx %arg8[%get3A_51], %broadcast_in_dim3A_5 {add = true} : memref<10240xf32, #tpu.memory_space<vmem>>[vector<16xi32>], vector<16xf32>,
      %get3A_52 = arith.index_cast %add3A_16 : i32 to index
      %get3A_53 = arith.constant 96 : index
      %get3A_54 = tpu.vector_load %arg5[%get3A_52, %get3A_53] {strides = array<i32>} : memref<80x128xi32, #tpu.memory_space<vmem>>, vector<16xi32>,
      %get3A_55 = arith.index_cast %add3A_16 : i32 to index
      %get3A_56 = arith.constant 96 : index
      %get3A_57 = tpu.vector_load %arg6[%get3A_55, %get3A_56] {strides = array<i32>} : memref<80x128xi32, #tpu.memory_space<vmem>>, vector<16xi32>,
      tpu.vector_store_idx %arg7[%get3A_54], %broadcast_in_dim3A_5 {add = true} : memref<10240xf32, #tpu.memory_space<vmem>>[vector<16xi32>], vector<16xf32>,
      tpu.vector_store_idx %arg8[%get3A_57], %broadcast_in_dim3A_5 {add = true} : memref<10240xf32, #tpu.memory_space<vmem>>[vector<16xi32>], vector<16xf32>,
      %get3A_58 = arith.index_cast %add3A_16 : i32 to index
      %get3A_59 = arith.constant 112 : index
      %get3A_60 = tpu.vector_load %arg5[%get3A_58, %get3A_59] {strides = array<i32>} : memref<80x128xi32, #tpu.memory_space<vmem>>, vector<16xi32>,
      %get3A_61 = arith.index_cast %add3A_16 : i32 to index
      %get3A_62 = arith.constant 112 : index
      %get3A_63 = tpu.vector_load %arg6[%get3A_61, %get3A_62] {strides = array<i32>} : memref<80x128xi32, #tpu.memory_space<vmem>>, vector<16xi32>,
      tpu.vector_store_idx %arg7[%get3A_60], %broadcast_in_dim3A_5 {add = true} : memref<10240xf32, #tpu.memory_space<vmem>>[vector<16xi32>], vector<16xf32>,
      tpu.vector_store_idx %arg8[%get3A_63], %broadcast_in_dim3A_5 {add = true} : memref<10240xf32, #tpu.memory_space<vmem>>[vector<16xi32>], vector<16xf32>,
    }
    %scan3A_10 = arith.constant 80 : i32
    %run_scoped3A = arith.constant 0 : i32
    "tpu.region"() ({
      %run_scoped3A_12 = tpu.sem_alloc : memref<!tpu.dma_semaphore, #tpu.memory_space<semaphore_mem>>
      %dma_start3A = arith.constant 0 : i32
      %dma_start3A_13 = tpu.memref_slice %arg4[%arg0, %arg1, %run_scoped3A, %dma_start3A] : memref<2x16x2x10240xf32, #tpu.memory_space<hbm>> -> memref<1x1x1x10240xf32, #tpu.memory_space<hbm>>
      %dma_start3A_14 = tpu.memref_squeeze %dma_start3A_13 : memref<1x1x1x10240xf32, #tpu.memory_space<hbm>> -> memref<10240xf32, #tpu.memory_space<hbm>>
      %dma_start3A_15 = arith.constant 0 : i32
      %dma_start3A_16 = tpu.memref_slice %arg4[%arg0, %arg1, %run_scoped3A, %dma_start3A_15] : memref<2x16x2x10240xf32, #tpu.memory_space<hbm>> -> memref<1x1x1x10240xf32, #tpu.memory_space<hbm>>
      %dma_start3A_17 = tpu.memref_squeeze %dma_start3A_16 : memref<1x1x1x10240xf32, #tpu.memory_space<hbm>> -> memref<10240xf32, #tpu.memory_space<hbm>>
      tpu.enqueue_dma source(%arg7 : memref<10240xf32, #tpu.memory_space<vmem>>) target(%dma_start3A_17 : memref<10240xf32, #tpu.memory_space<hbm>>) target_semaphore(%run_scoped3A_12 : memref<!tpu.dma_semaphore, #tpu.memory_space<semaphore_mem>>)
      %dma_wait3A = arith.constant 0 : i32
      %dma_wait3A_18 = tpu.memref_slice %arg4[%arg0, %arg1, %run_scoped3A, %dma_wait3A] : memref<2x16x2x10240xf32, #tpu.memory_space<hbm>> -> memref<1x1x1x10240xf32, #tpu.memory_space<hbm>>
      %dma_wait3A_19 = tpu.memref_squeeze %dma_wait3A_18 : memref<1x1x1x10240xf32, #tpu.memory_space<hbm>> -> memref<10240xf32, #tpu.memory_space<hbm>>
      %dma_wait3A_20 = arith.constant 0 : i32
      %dma_wait3A_21 = tpu.memref_slice %arg4[%arg0, %arg1, %run_scoped3A, %dma_wait3A_20] : memref<2x16x2x10240xf32, #tpu.memory_space<hbm>> -> memref<1x1x1x10240xf32, #tpu.memory_space<hbm>>
      %dma_wait3A_22 = tpu.memref_squeeze %dma_wait3A_21 : memref<1x1x1x10240xf32, #tpu.memory_space<hbm>> -> memref<10240xf32, #tpu.memory_space<hbm>>
      tpu.wait_dma2 semaphore(%run_scoped3A_12 : memref<!tpu.dma_semaphore, #tpu.memory_space<semaphore_mem>>) src(%arg7 : memref<10240xf32, #tpu.memory_space<vmem>>) dst(%dma_wait3A_22 : memref<10240xf32, #tpu.memory_space<hbm>>)
      tpu.yield
    }) : () -> ()
    %run_scoped3A_11 = arith.constant 1 : i32
    "tpu.region"() ({
      %run_scoped3A_12 = tpu.sem_alloc : memref<!tpu.dma_semaphore, #tpu.memory_space<semaphore_mem>>
      %dma_start3A = arith.constant 0 : i32
      %dma_start3A_13 = tpu.memref_slice %arg4[%arg0, %arg1, %run_scoped3A_11, %dma_start3A] : memref<2x16x2x10240xf32, #tpu.memory_space<hbm>> -> memref<1x1x1x10240xf32, #tpu.memory_space<hbm>>
      %dma_start3A_14 = tpu.memref_squeeze %dma_start3A_13 : memref<1x1x1x10240xf32, #tpu.memory_space<hbm>> -> memref<10240xf32, #tpu.memory_space<hbm>>
      %dma_start3A_15 = arith.constant 0 : i32
      %dma_start3A_16 = tpu.memref_slice %arg4[%arg0, %arg1, %run_scoped3A_11, %dma_start3A_15] : memref<2x16x2x10240xf32, #tpu.memory_space<hbm>> -> memref<1x1x1x10240xf32, #tpu.memory_space<hbm>>
      %dma_start3A_17 = tpu.memref_squeeze %dma_start3A_16 : memref<1x1x1x10240xf32, #tpu.memory_space<hbm>> -> memref<10240xf32, #tpu.memory_space<hbm>>
      tpu.enqueue_dma source(%arg8 : memref<10240xf32, #tpu.memory_space<vmem>>) target(%dma_start3A_17 : memref<10240xf32, #tpu.memory_space<hbm>>) target_semaphore(%run_scoped3A_12 : memref<!tpu.dma_semaphore, #tpu.memory_space<semaphore_mem>>)
      %dma_wait3A = arith.constant 0 : i32
      %dma_wait3A_18 = tpu.memref_slice %arg4[%arg0, %arg1, %run_scoped3A_11, %dma_wait3A] : memref<2x16x2x10240xf32, #tpu.memory_space<hbm>> -> memref<1x1x1x10240xf32, #tpu.memory_space<hbm>>
      %dma_wait3A_19 = tpu.memref_squeeze %dma_wait3A_18 : memref<1x1x1x10240xf32, #tpu.memory_space<hbm>> -> memref<10240xf32, #tpu.memory_space<hbm>>
      %dma_wait3A_20 = arith.constant 0 : i32
      %dma_wait3A_21 = tpu.memref_slice %arg4[%arg0, %arg1, %run_scoped3A_11, %dma_wait3A_20] : memref<2x16x2x10240xf32, #tpu.memory_space<hbm>> -> memref<1x1x1x10240xf32, #tpu.memory_space<hbm>>
      %dma_wait3A_22 = tpu.memref_squeeze %dma_wait3A_21 : memref<1x1x1x10240xf32, #tpu.memory_space<hbm>> -> memref<10240xf32, #tpu.memory_space<hbm>>
      tpu.wait_dma2 semaphore(%run_scoped3A_12 : memref<!tpu.dma_semaphore, #tpu.memory_space<semaphore_mem>>) src(%arg8 : memref<10240xf32, #tpu.memory_space<vmem>>) dst(%dma_wait3A_22 : memref<10240xf32, #tpu.memory_space<hbm>>)
      tpu.yield
    }) : () -> ()
    return
  }
}

#map = affine_map<(d0, d1) -> (0, 0, 0)>
module attributes {stable_mosaic.version = 14 : i64} {
  func.func @_agg_body(%arg0: i32, %arg1: i32, %arg2: memref<2x10240x64xf32, #tpu.memory_space<hbm>>, %arg3: memref<16x160x128xi32, #tpu.memory_space<hbm>>, %arg4: memref<16x160x128xi32, #tpu.memory_space<hbm>>, %arg5: memref<2x10240x64xf32, #tpu.memory_space<hbm>>, %arg6: memref<160x128xi32, #tpu.memory_space<vmem>>, %arg7: memref<160x128xi32, #tpu.memory_space<vmem>>, %arg8: memref<128x64xf32, #tpu.memory_space<vmem>>, %arg9: memref<128x64xf32, #tpu.memory_space<vmem>>, %arg10: memref<128x64xf32, #tpu.memory_space<vmem>>, %arg11: memref<128x64xf32, #tpu.memory_space<vmem>>, %arg12: memref<128x64xf32, #tpu.memory_space<vmem>>, %arg13: memref<10240x64xf32, #tpu.memory_space<vmem_shared>>, %arg14: memref<!tpu.dma_semaphore, #tpu.memory_space<semaphore_mem>>, %arg15: memref<!tpu.dma_semaphore, #tpu.memory_space<semaphore_mem>>) attributes {dimension_semantics = [#tpu.dimension_semantics<core_parallel>, #tpu.dimension_semantics<subcore_parallel>], iteration_bounds = array<i64: 2, 16>, scalar_prefetch = 0 : i64, scratch_operands = 10 : i64, tpu.core_type = #tpu.core_type<sc_vector_subcore>, window_params = [{transform_indices = #map}, {transform_indices = #map}, {transform_indices = #map}, {transform_indices = #map}]} {
    "tpu.region"() ({
      %run_scoped3A = tpu.sem_alloc : memref<!tpu.dma_semaphore, #tpu.memory_space<semaphore_mem>>
      %dma_start3A_52 = arith.constant 0 : i32
      %dma_start3A_53 = arith.constant 0 : i32
      %dma_start3A_54 = tpu.memref_slice %arg3[%arg1, %dma_start3A_52, %dma_start3A_53] : memref<16x160x128xi32, #tpu.memory_space<hbm>> -> memref<1x160x128xi32, #tpu.memory_space<hbm>>
      %dma_start3A_55 = tpu.memref_squeeze %dma_start3A_54 : memref<1x160x128xi32, #tpu.memory_space<hbm>> -> memref<160x128xi32, #tpu.memory_space<hbm>>
      %dma_start3A_56 = arith.constant 0 : i32
      %dma_start3A_57 = arith.constant 0 : i32
      %dma_start3A_58 = tpu.memref_slice %arg3[%arg1, %dma_start3A_56, %dma_start3A_57] : memref<16x160x128xi32, #tpu.memory_space<hbm>> -> memref<1x160x128xi32, #tpu.memory_space<hbm>>
      %dma_start3A_59 = tpu.memref_squeeze %dma_start3A_58 : memref<1x160x128xi32, #tpu.memory_space<hbm>> -> memref<160x128xi32, #tpu.memory_space<hbm>>
      tpu.enqueue_dma source(%dma_start3A_59 : memref<160x128xi32, #tpu.memory_space<hbm>>) target(%arg6 : memref<160x128xi32, #tpu.memory_space<vmem>>) target_semaphore(%run_scoped3A : memref<!tpu.dma_semaphore, #tpu.memory_space<semaphore_mem>>)
      %dma_wait3A_60 = arith.constant 0 : i32
      %dma_wait3A_61 = arith.constant 0 : i32
      %dma_wait3A_62 = tpu.memref_slice %arg3[%arg1, %dma_wait3A_60, %dma_wait3A_61] : memref<16x160x128xi32, #tpu.memory_space<hbm>> -> memref<1x160x128xi32, #tpu.memory_space<hbm>>
      %dma_wait3A_63 = tpu.memref_squeeze %dma_wait3A_62 : memref<1x160x128xi32, #tpu.memory_space<hbm>> -> memref<160x128xi32, #tpu.memory_space<hbm>>
      %dma_wait3A_64 = arith.constant 0 : i32
      %dma_wait3A_65 = arith.constant 0 : i32
      %dma_wait3A_66 = tpu.memref_slice %arg3[%arg1, %dma_wait3A_64, %dma_wait3A_65] : memref<16x160x128xi32, #tpu.memory_space<hbm>> -> memref<1x160x128xi32, #tpu.memory_space<hbm>>
      %dma_wait3A_67 = tpu.memref_squeeze %dma_wait3A_66 : memref<1x160x128xi32, #tpu.memory_space<hbm>> -> memref<160x128xi32, #tpu.memory_space<hbm>>
      tpu.wait_dma2 semaphore(%run_scoped3A : memref<!tpu.dma_semaphore, #tpu.memory_space<semaphore_mem>>) src(%dma_wait3A_67 : memref<160x128xi32, #tpu.memory_space<hbm>>) dst(%arg6 : memref<160x128xi32, #tpu.memory_space<vmem>>)
      tpu.yield
    }) : () -> ()
    "tpu.region"() ({
      %run_scoped3A = tpu.sem_alloc : memref<!tpu.dma_semaphore, #tpu.memory_space<semaphore_mem>>
      %dma_start3A_52 = arith.constant 0 : i32
      %dma_start3A_53 = arith.constant 0 : i32
      %dma_start3A_54 = tpu.memref_slice %arg4[%arg1, %dma_start3A_52, %dma_start3A_53] : memref<16x160x128xi32, #tpu.memory_space<hbm>> -> memref<1x160x128xi32, #tpu.memory_space<hbm>>
      %dma_start3A_55 = tpu.memref_squeeze %dma_start3A_54 : memref<1x160x128xi32, #tpu.memory_space<hbm>> -> memref<160x128xi32, #tpu.memory_space<hbm>>
      %dma_start3A_56 = arith.constant 0 : i32
      %dma_start3A_57 = arith.constant 0 : i32
      %dma_start3A_58 = tpu.memref_slice %arg4[%arg1, %dma_start3A_56, %dma_start3A_57] : memref<16x160x128xi32, #tpu.memory_space<hbm>> -> memref<1x160x128xi32, #tpu.memory_space<hbm>>
      %dma_start3A_59 = tpu.memref_squeeze %dma_start3A_58 : memref<1x160x128xi32, #tpu.memory_space<hbm>> -> memref<160x128xi32, #tpu.memory_space<hbm>>
      tpu.enqueue_dma source(%dma_start3A_59 : memref<160x128xi32, #tpu.memory_space<hbm>>) target(%arg7 : memref<160x128xi32, #tpu.memory_space<vmem>>) target_semaphore(%run_scoped3A : memref<!tpu.dma_semaphore, #tpu.memory_space<semaphore_mem>>)
      %dma_wait3A_60 = arith.constant 0 : i32
      %dma_wait3A_61 = arith.constant 0 : i32
      %dma_wait3A_62 = tpu.memref_slice %arg4[%arg1, %dma_wait3A_60, %dma_wait3A_61] : memref<16x160x128xi32, #tpu.memory_space<hbm>> -> memref<1x160x128xi32, #tpu.memory_space<hbm>>
      %dma_wait3A_63 = tpu.memref_squeeze %dma_wait3A_62 : memref<1x160x128xi32, #tpu.memory_space<hbm>> -> memref<160x128xi32, #tpu.memory_space<hbm>>
      %dma_wait3A_64 = arith.constant 0 : i32
      %dma_wait3A_65 = arith.constant 0 : i32
      %dma_wait3A_66 = tpu.memref_slice %arg4[%arg1, %dma_wait3A_64, %dma_wait3A_65] : memref<16x160x128xi32, #tpu.memory_space<hbm>> -> memref<1x160x128xi32, #tpu.memory_space<hbm>>
      %dma_wait3A_67 = tpu.memref_squeeze %dma_wait3A_66 : memref<1x160x128xi32, #tpu.memory_space<hbm>> -> memref<160x128xi32, #tpu.memory_space<hbm>>
      tpu.wait_dma2 semaphore(%run_scoped3A : memref<!tpu.dma_semaphore, #tpu.memory_space<semaphore_mem>>) src(%dma_wait3A_67 : memref<160x128xi32, #tpu.memory_space<hbm>>) dst(%arg7 : memref<160x128xi32, #tpu.memory_space<vmem>>)
      tpu.yield
    }) : () -> ()
    %scan3A = arith.constant 0 : i32
    %scan3A_0 = arith.constant 128 : i32
    %scan3A_1 = arith.addi %scan3A, %scan3A_0 : i32
    %scan3A_2 = arith.constant 1 : i32
    scf.for %scan3A_52 = %scan3A to %scan3A_1 step %scan3A_2  : i32 {
      %mul3A_53 = arith.constant 1 : i32
      %mul3A_54 = arith.muli %scan3A_52, %mul3A_53 : i32
      %add3A = arith.constant 0 : i32
      %add3A_55 = arith.addi %add3A, %mul3A_54 : i32
      %broadcast_in_dim3A = arith.constant 0.000000e+00 : f32
      %broadcast_in_dim3A_56 = vector.broadcast %broadcast_in_dim3A : f32 to vector<16xf32>
      %swap3A = arith.index_cast %add3A_55 : i32 to index
      %swap3A_57 = arith.constant 0 : index
      %swap3A_58 = tpu.vector_load %arg12[%swap3A, %swap3A_57] {strides = array<i32>} : memref<128x64xf32, #tpu.memory_space<vmem>>, vector<16xf32>,
      tpu.vector_store %arg12[%swap3A, %swap3A_57], %broadcast_in_dim3A_56 {strides = array<i32>} : memref<128x64xf32, #tpu.memory_space<vmem>>, vector<16xf32>,
      %broadcast_in_dim3A_59 = arith.constant 0.000000e+00 : f32
      %broadcast_in_dim3A_60 = vector.broadcast %broadcast_in_dim3A_59 : f32 to vector<16xf32>
      %swap3A_61 = arith.index_cast %add3A_55 : i32 to index
      %swap3A_62 = arith.constant 16 : index
      %swap3A_63 = tpu.vector_load %arg12[%swap3A_61, %swap3A_62] {strides = array<i32>} : memref<128x64xf32, #tpu.memory_space<vmem>>, vector<16xf32>,
      tpu.vector_store %arg12[%swap3A_61, %swap3A_62], %broadcast_in_dim3A_60 {strides = array<i32>} : memref<128x64xf32, #tpu.memory_space<vmem>>, vector<16xf32>,
      %broadcast_in_dim3A_64 = arith.constant 0.000000e+00 : f32
      %broadcast_in_dim3A_65 = vector.broadcast %broadcast_in_dim3A_64 : f32 to vector<16xf32>
      %swap3A_66 = arith.index_cast %add3A_55 : i32 to index
      %swap3A_67 = arith.constant 32 : index
      %swap3A_68 = tpu.vector_load %arg12[%swap3A_66, %swap3A_67] {strides = array<i32>} : memref<128x64xf32, #tpu.memory_space<vmem>>, vector<16xf32>,
      tpu.vector_store %arg12[%swap3A_66, %swap3A_67], %broadcast_in_dim3A_65 {strides = array<i32>} : memref<128x64xf32, #tpu.memory_space<vmem>>, vector<16xf32>,
      %broadcast_in_dim3A_69 = arith.constant 0.000000e+00 : f32
      %broadcast_in_dim3A_70 = vector.broadcast %broadcast_in_dim3A_69 : f32 to vector<16xf32>
      %swap3A_71 = arith.index_cast %add3A_55 : i32 to index
      %swap3A_72 = arith.constant 48 : index
      %swap3A_73 = tpu.vector_load %arg12[%swap3A_71, %swap3A_72] {strides = array<i32>} : memref<128x64xf32, #tpu.memory_space<vmem>>, vector<16xf32>,
      tpu.vector_store %arg12[%swap3A_71, %swap3A_72], %broadcast_in_dim3A_70 {strides = array<i32>} : memref<128x64xf32, #tpu.memory_space<vmem>>, vector<16xf32>,
    }
    %scan3A_3 = arith.constant 128 : i32
    %scan3A_4 = arith.constant 0 : i32
    %scan3A_5 = arith.constant 5 : i32
    %scan3A_6 = arith.addi %scan3A_4, %scan3A_5 : i32
    %scan3A_7 = arith.constant 1 : i32
    scf.for %scan3A_52 = %scan3A_4 to %scan3A_6 step %scan3A_7  : i32 {
      %mul3A_53 = arith.constant 1 : i32
      %mul3A_54 = arith.muli %scan3A_52, %mul3A_53 : i32
      %add3A = arith.constant 0 : i32
      %add3A_55 = arith.addi %add3A, %mul3A_54 : i32
      %mul3A_56 = arith.constant 640 : i32
      %mul3A_57 = arith.muli %arg1, %mul3A_56 : i32
      %mul3A_58 = arith.constant 128 : i32
      %mul3A_59 = arith.muli %add3A_55, %mul3A_58 : i32
      %add3A_60 = arith.addi %mul3A_57, %mul3A_59 : i32
      "tpu.region"() ({
        %run_scoped3A = tpu.sem_alloc : memref<!tpu.dma_semaphore, #tpu.memory_space<semaphore_mem>>
        %dma_start3A_61 = arith.constant 0 : i32
        %dma_start3A_62 = tpu.memref_slice %arg13[%add3A_60, %dma_start3A_61] : memref<10240x64xf32, #tpu.memory_space<vmem_shared>> -> memref<128x64xf32, #tpu.memory_space<vmem_shared>>
        %dma_start3A_63 = arith.constant 0 : i32
        %dma_start3A_64 = tpu.memref_slice %arg13[%add3A_60, %dma_start3A_63] : memref<10240x64xf32, #tpu.memory_space<vmem_shared>> -> memref<128x64xf32, #tpu.memory_space<vmem_shared>>
        tpu.enqueue_dma source(%arg12 : memref<128x64xf32, #tpu.memory_space<vmem>>) target(%dma_start3A_64 : memref<128x64xf32, #tpu.memory_space<vmem_shared>>) target_semaphore(%run_scoped3A : memref<!tpu.dma_semaphore, #tpu.memory_space<semaphore_mem>>)
        %dma_wait3A_65 = arith.constant 0 : i32
        %dma_wait3A_66 = tpu.memref_slice %arg13[%add3A_60, %dma_wait3A_65] : memref<10240x64xf32, #tpu.memory_space<vmem_shared>> -> memref<128x64xf32, #tpu.memory_space<vmem_shared>>
        %dma_wait3A_67 = arith.constant 0 : i32
        %dma_wait3A_68 = tpu.memref_slice %arg13[%add3A_60, %dma_wait3A_67] : memref<10240x64xf32, #tpu.memory_space<vmem_shared>> -> memref<128x64xf32, #tpu.memory_space<vmem_shared>>
        tpu.wait_dma2 semaphore(%run_scoped3A : memref<!tpu.dma_semaphore, #tpu.memory_space<semaphore_mem>>) src(%arg12 : memref<128x64xf32, #tpu.memory_space<vmem>>) dst(%dma_wait3A_68 : memref<128x64xf32, #tpu.memory_space<vmem_shared>>)
        tpu.yield
      }) : () -> ()
    }
    %scan3A_8 = arith.constant 5 : i32
    %barrier3A = arith.constant 0 : index
    tpu.barrier barrier_id(%barrier3A)
    %dma_start3A = arith.constant 0 : i32
    %dma_start3A_9 = arith.constant 0 : i32
    %dma_start3A_10 = tpu.memref_slice %arg6[%dma_start3A, %dma_start3A_9] : memref<160x128xi32, #tpu.memory_space<vmem>> -> memref<1x128xi32, #tpu.memory_space<vmem>>
    %dma_start3A_11 = tpu.memref_squeeze %dma_start3A_10 : memref<1x128xi32, #tpu.memory_space<vmem>> -> memref<128xi32, #tpu.memory_space<vmem>>
    %dma_start3A_12 = arith.constant 0 : i32
    %dma_start3A_13 = arith.constant 0 : i32
    %dma_start3A_14 = tpu.memref_slice %arg2[%arg0, %dma_start3A_12, %dma_start3A_13] : memref<2x10240x64xf32, #tpu.memory_space<hbm>> -> memref<1x10240x64xf32, #tpu.memory_space<hbm>>
    %dma_start3A_15 = tpu.memref_squeeze %dma_start3A_14 : memref<1x10240x64xf32, #tpu.memory_space<hbm>> -> memref<10240x64xf32, #tpu.memory_space<hbm>>
    %dma_start3A_16 = arith.constant 0 : i32
    %dma_start3A_17 = arith.constant 0 : i32
    %dma_start3A_18 = tpu.memref_slice %dma_start3A_15[%dma_start3A_16, %dma_start3A_17] : memref<10240x64xf32, #tpu.memory_space<hbm>> -> memref<10240x64xf32, #tpu.memory_space<hbm>>
    tpu.enqueue_indirect_dma source(%dma_start3A_18 : memref<10240x64xf32, #tpu.memory_space<hbm>>) target(%arg8 : memref<128x64xf32, #tpu.memory_space<vmem>>) offsets(%dma_start3A_11 : memref<128xi32, #tpu.memory_space<vmem>>) semaphore(%arg14 : memref<!tpu.dma_semaphore, #tpu.memory_space<semaphore_mem>>)
    %dma_start3A_19 = arith.constant 1 : i32
    %dma_start3A_20 = arith.constant 0 : i32
    %dma_start3A_21 = tpu.memref_slice %arg6[%dma_start3A_19, %dma_start3A_20] : memref<160x128xi32, #tpu.memory_space<vmem>> -> memref<1x128xi32, #tpu.memory_space<vmem>>
    %dma_start3A_22 = tpu.memref_squeeze %dma_start3A_21 : memref<1x128xi32, #tpu.memory_space<vmem>> -> memref<128xi32, #tpu.memory_space<vmem>>
    %dma_start3A_23 = arith.constant 0 : i32
    %dma_start3A_24 = arith.constant 0 : i32
    %dma_start3A_25 = tpu.memref_slice %arg2[%arg0, %dma_start3A_23, %dma_start3A_24] : memref<2x10240x64xf32, #tpu.memory_space<hbm>> -> memref<1x10240x64xf32, #tpu.memory_space<hbm>>
    %dma_start3A_26 = tpu.memref_squeeze %dma_start3A_25 : memref<1x10240x64xf32, #tpu.memory_space<hbm>> -> memref<10240x64xf32, #tpu.memory_space<hbm>>
    %dma_start3A_27 = arith.constant 0 : i32
    %dma_start3A_28 = arith.constant 0 : i32
    %dma_start3A_29 = tpu.memref_slice %dma_start3A_26[%dma_start3A_27, %dma_start3A_28] : memref<10240x64xf32, #tpu.memory_space<hbm>> -> memref<10240x64xf32, #tpu.memory_space<hbm>>
    tpu.enqueue_indirect_dma source(%dma_start3A_29 : memref<10240x64xf32, #tpu.memory_space<hbm>>) target(%arg9 : memref<128x64xf32, #tpu.memory_space<vmem>>) offsets(%dma_start3A_22 : memref<128xi32, #tpu.memory_space<vmem>>) semaphore(%arg14 : memref<!tpu.dma_semaphore, #tpu.memory_space<semaphore_mem>>)
    %scan3A_30 = arith.constant 0 : i32
    %scan3A_31 = arith.constant 40 : i32
    %scan3A_32 = arith.addi %scan3A_30, %scan3A_31 : i32
    %scan3A_33 = arith.constant 1 : i32
    scf.for %scan3A_52 = %scan3A_30 to %scan3A_32 step %scan3A_33  : i32 {
      %mul3A_53 = arith.constant 4 : i32
      %mul3A_54 = arith.muli %scan3A_52, %mul3A_53 : i32
      %add3A = arith.constant 0 : i32
      %add3A_55 = arith.addi %add3A, %mul3A_54 : i32
      %add3A_56 = arith.constant 0 : i32
      %add3A_57 = arith.addi %add3A_55, %add3A_56 : i32
      %dma_wait3A_58 = arith.constant 0 : i32
      %dma_wait3A_59 = tpu.memref_slice %arg6[%add3A_57, %dma_wait3A_58] : memref<160x128xi32, #tpu.memory_space<vmem>> -> memref<1x128xi32, #tpu.memory_space<vmem>>
      %dma_wait3A_60 = tpu.memref_squeeze %dma_wait3A_59 : memref<1x128xi32, #tpu.memory_space<vmem>> -> memref<128xi32, #tpu.memory_space<vmem>>
      %dma_wait3A_61 = arith.constant 0 : i32
      %dma_wait3A_62 = arith.constant 0 : i32
      %dma_wait3A_63 = tpu.memref_slice %arg2[%arg0, %dma_wait3A_61, %dma_wait3A_62] : memref<2x10240x64xf32, #tpu.memory_space<hbm>> -> memref<1x10240x64xf32, #tpu.memory_space<hbm>>
      %dma_wait3A_64 = tpu.memref_squeeze %dma_wait3A_63 : memref<1x10240x64xf32, #tpu.memory_space<hbm>> -> memref<10240x64xf32, #tpu.memory_space<hbm>>
      %dma_wait3A_65 = arith.constant 0 : i32
      %dma_wait3A_66 = arith.constant 0 : i32
      %dma_wait3A_67 = tpu.memref_slice %dma_wait3A_64[%dma_wait3A_65, %dma_wait3A_66] : memref<10240x64xf32, #tpu.memory_space<hbm>> -> memref<10240x64xf32, #tpu.memory_space<hbm>>
      tpu.wait_indirect_dma semaphore(%arg14 : memref<!tpu.dma_semaphore, #tpu.memory_space<semaphore_mem>>) src(%dma_wait3A_67 : memref<10240x64xf32, #tpu.memory_space<hbm>>) dst(%arg8 : memref<128x64xf32, #tpu.memory_space<vmem>>)
      %dma_start3A_68 = arith.constant 0 : i32
      %dma_start3A_69 = tpu.memref_slice %arg7[%add3A_57, %dma_start3A_68] : memref<160x128xi32, #tpu.memory_space<vmem>> -> memref<1x128xi32, #tpu.memory_space<vmem>>
      %dma_start3A_70 = tpu.memref_squeeze %dma_start3A_69 : memref<1x128xi32, #tpu.memory_space<vmem>> -> memref<128xi32, #tpu.memory_space<vmem>>
      %dma_start3A_71 = arith.constant 0 : i32
      %dma_start3A_72 = arith.constant 0 : i32
      %dma_start3A_73 = tpu.memref_slice %arg13[%dma_start3A_71, %dma_start3A_72] : memref<10240x64xf32, #tpu.memory_space<vmem_shared>> -> memref<10240x64xf32, #tpu.memory_space<vmem_shared>>
      tpu.enqueue_indirect_dma source(%arg8 : memref<128x64xf32, #tpu.memory_space<vmem>>) target(%dma_start3A_73 : memref<10240x64xf32, #tpu.memory_space<vmem_shared>>) offsets(%dma_start3A_70 : memref<128xi32, #tpu.memory_space<vmem>>) semaphore(%arg15 : memref<!tpu.dma_semaphore, #tpu.memory_space<semaphore_mem>>) {add = true}
      %ge3A = arith.constant 2 : i32
      %ge3A_74 = arith.cmpi sge, %add3A_57, %ge3A : i32
      %convert_element_type3A = arith.extui %ge3A_74 : i1 to i32
      %cond3A = arith.constant 0 : i32
      %cond3A_75 = arith.cmpi ne, %convert_element_type3A, %cond3A : i32
      scf.if %cond3A_75 {
        %dma_wait3A_172 = arith.constant 0 : i32
        %dma_wait3A_173 = tpu.memref_slice %arg7[%add3A_57, %dma_wait3A_172] : memref<160x128xi32, #tpu.memory_space<vmem>> -> memref<1x128xi32, #tpu.memory_space<vmem>>
        %dma_wait3A_174 = tpu.memref_squeeze %dma_wait3A_173 : memref<1x128xi32, #tpu.memory_space<vmem>> -> memref<128xi32, #tpu.memory_space<vmem>>
        %dma_wait3A_175 = arith.constant 0 : i32
        %dma_wait3A_176 = arith.constant 0 : i32
        %dma_wait3A_177 = tpu.memref_slice %arg13[%dma_wait3A_175, %dma_wait3A_176] : memref<10240x64xf32, #tpu.memory_space<vmem_shared>> -> memref<10240x64xf32, #tpu.memory_space<vmem_shared>>
        tpu.wait_indirect_dma semaphore(%arg15 : memref<!tpu.dma_semaphore, #tpu.memory_space<semaphore_mem>>) src(%arg10 : memref<128x64xf32, #tpu.memory_space<vmem>>) dst(%dma_wait3A_177 : memref<10240x64xf32, #tpu.memory_space<vmem_shared>>)
      } else {
      }
      %add3A_76 = arith.constant 2 : i32
      %add3A_77 = arith.addi %add3A_57, %add3A_76 : i32
      %lt3A = arith.constant 160 : i32
      %lt3A_78 = arith.cmpi slt, %add3A_77, %lt3A : i32
      %convert_element_type3A_79 = arith.extui %lt3A_78 : i1 to i32
      %cond3A_80 = arith.constant 0 : i32
      %cond3A_81 = arith.cmpi ne, %convert_element_type3A_79, %cond3A_80 : i32
      scf.if %cond3A_81 {
        %add3A_172 = arith.constant 2 : i32
        %add3A_173 = arith.addi %add3A_57, %add3A_172 : i32
        %dma_start3A_174 = arith.constant 0 : i32
        %dma_start3A_175 = tpu.memref_slice %arg6[%add3A_173, %dma_start3A_174] : memref<160x128xi32, #tpu.memory_space<vmem>> -> memref<1x128xi32, #tpu.memory_space<vmem>>
        %dma_start3A_176 = tpu.memref_squeeze %dma_start3A_175 : memref<1x128xi32, #tpu.memory_space<vmem>> -> memref<128xi32, #tpu.memory_space<vmem>>
        %dma_start3A_177 = arith.constant 0 : i32
        %dma_start3A_178 = arith.constant 0 : i32
        %dma_start3A_179 = tpu.memref_slice %arg2[%arg0, %dma_start3A_177, %dma_start3A_178] : memref<2x10240x64xf32, #tpu.memory_space<hbm>> -> memref<1x10240x64xf32, #tpu.memory_space<hbm>>
        %dma_start3A_180 = tpu.memref_squeeze %dma_start3A_179 : memref<1x10240x64xf32, #tpu.memory_space<hbm>> -> memref<10240x64xf32, #tpu.memory_space<hbm>>
        %dma_start3A_181 = arith.constant 0 : i32
        %dma_start3A_182 = arith.constant 0 : i32
        %dma_start3A_183 = tpu.memref_slice %dma_start3A_180[%dma_start3A_181, %dma_start3A_182] : memref<10240x64xf32, #tpu.memory_space<hbm>> -> memref<10240x64xf32, #tpu.memory_space<hbm>>
        tpu.enqueue_indirect_dma source(%dma_start3A_183 : memref<10240x64xf32, #tpu.memory_space<hbm>>) target(%arg10 : memref<128x64xf32, #tpu.memory_space<vmem>>) offsets(%dma_start3A_176 : memref<128xi32, #tpu.memory_space<vmem>>) semaphore(%arg14 : memref<!tpu.dma_semaphore, #tpu.memory_space<semaphore_mem>>)
      } else {
      }
      %add3A_82 = arith.constant 1 : i32
      %add3A_83 = arith.addi %add3A_55, %add3A_82 : i32
      %dma_wait3A_84 = arith.constant 0 : i32
      %dma_wait3A_85 = tpu.memref_slice %arg6[%add3A_83, %dma_wait3A_84] : memref<160x128xi32, #tpu.memory_space<vmem>> -> memref<1x128xi32, #tpu.memory_space<vmem>>
      %dma_wait3A_86 = tpu.memref_squeeze %dma_wait3A_85 : memref<1x128xi32, #tpu.memory_space<vmem>> -> memref<128xi32, #tpu.memory_space<vmem>>
      %dma_wait3A_87 = arith.constant 0 : i32
      %dma_wait3A_88 = arith.constant 0 : i32
      %dma_wait3A_89 = tpu.memref_slice %arg2[%arg0, %dma_wait3A_87, %dma_wait3A_88] : memref<2x10240x64xf32, #tpu.memory_space<hbm>> -> memref<1x10240x64xf32, #tpu.memory_space<hbm>>
      %dma_wait3A_90 = tpu.memref_squeeze %dma_wait3A_89 : memref<1x10240x64xf32, #tpu.memory_space<hbm>> -> memref<10240x64xf32, #tpu.memory_space<hbm>>
      %dma_wait3A_91 = arith.constant 0 : i32
      %dma_wait3A_92 = arith.constant 0 : i32
      %dma_wait3A_93 = tpu.memref_slice %dma_wait3A_90[%dma_wait3A_91, %dma_wait3A_92] : memref<10240x64xf32, #tpu.memory_space<hbm>> -> memref<10240x64xf32, #tpu.memory_space<hbm>>
      tpu.wait_indirect_dma semaphore(%arg14 : memref<!tpu.dma_semaphore, #tpu.memory_space<semaphore_mem>>) src(%dma_wait3A_93 : memref<10240x64xf32, #tpu.memory_space<hbm>>) dst(%arg9 : memref<128x64xf32, #tpu.memory_space<vmem>>)
      %dma_start3A_94 = arith.constant 0 : i32
      %dma_start3A_95 = tpu.memref_slice %arg7[%add3A_83, %dma_start3A_94] : memref<160x128xi32, #tpu.memory_space<vmem>> -> memref<1x128xi32, #tpu.memory_space<vmem>>
      %dma_start3A_96 = tpu.memref_squeeze %dma_start3A_95 : memref<1x128xi32, #tpu.memory_space<vmem>> -> memref<128xi32, #tpu.memory_space<vmem>>
      %dma_start3A_97 = arith.constant 0 : i32
      %dma_start3A_98 = arith.constant 0 : i32
      %dma_start3A_99 = tpu.memref_slice %arg13[%dma_start3A_97, %dma_start3A_98] : memref<10240x64xf32, #tpu.memory_space<vmem_shared>> -> memref<10240x64xf32, #tpu.memory_space<vmem_shared>>
      tpu.enqueue_indirect_dma source(%arg9 : memref<128x64xf32, #tpu.memory_space<vmem>>) target(%dma_start3A_99 : memref<10240x64xf32, #tpu.memory_space<vmem_shared>>) offsets(%dma_start3A_96 : memref<128xi32, #tpu.memory_space<vmem>>) semaphore(%arg15 : memref<!tpu.dma_semaphore, #tpu.memory_space<semaphore_mem>>) {add = true}
      %ge3A_100 = arith.constant 2 : i32
      %ge3A_101 = arith.cmpi sge, %add3A_83, %ge3A_100 : i32
      %convert_element_type3A_102 = arith.extui %ge3A_101 : i1 to i32
      %cond3A_103 = arith.constant 0 : i32
      %cond3A_104 = arith.cmpi ne, %convert_element_type3A_102, %cond3A_103 : i32
      scf.if %cond3A_104 {
        %dma_wait3A_172 = arith.constant 0 : i32
        %dma_wait3A_173 = tpu.memref_slice %arg7[%add3A_83, %dma_wait3A_172] : memref<160x128xi32, #tpu.memory_space<vmem>> -> memref<1x128xi32, #tpu.memory_space<vmem>>
        %dma_wait3A_174 = tpu.memref_squeeze %dma_wait3A_173 : memref<1x128xi32, #tpu.memory_space<vmem>> -> memref<128xi32, #tpu.memory_space<vmem>>
        %dma_wait3A_175 = arith.constant 0 : i32
        %dma_wait3A_176 = arith.constant 0 : i32
        %dma_wait3A_177 = tpu.memref_slice %arg13[%dma_wait3A_175, %dma_wait3A_176] : memref<10240x64xf32, #tpu.memory_space<vmem_shared>> -> memref<10240x64xf32, #tpu.memory_space<vmem_shared>>
        tpu.wait_indirect_dma semaphore(%arg15 : memref<!tpu.dma_semaphore, #tpu.memory_space<semaphore_mem>>) src(%arg11 : memref<128x64xf32, #tpu.memory_space<vmem>>) dst(%dma_wait3A_177 : memref<10240x64xf32, #tpu.memory_space<vmem_shared>>)
      } else {
      }
      %add3A_105 = arith.constant 2 : i32
      %add3A_106 = arith.addi %add3A_83, %add3A_105 : i32
      %lt3A_107 = arith.constant 160 : i32
      %lt3A_108 = arith.cmpi slt, %add3A_106, %lt3A_107 : i32
      %convert_element_type3A_109 = arith.extui %lt3A_108 : i1 to i32
      %cond3A_110 = arith.constant 0 : i32
      %cond3A_111 = arith.cmpi ne, %convert_element_type3A_109, %cond3A_110 : i32
      scf.if %cond3A_111 {
        %add3A_172 = arith.constant 2 : i32
        %add3A_173 = arith.addi %add3A_83, %add3A_172 : i32
        %dma_start3A_174 = arith.constant 0 : i32
        %dma_start3A_175 = tpu.memref_slice %arg6[%add3A_173, %dma_start3A_174] : memref<160x128xi32, #tpu.memory_space<vmem>> -> memref<1x128xi32, #tpu.memory_space<vmem>>
        %dma_start3A_176 = tpu.memref_squeeze %dma_start3A_175 : memref<1x128xi32, #tpu.memory_space<vmem>> -> memref<128xi32, #tpu.memory_space<vmem>>
        %dma_start3A_177 = arith.constant 0 : i32
        %dma_start3A_178 = arith.constant 0 : i32
        %dma_start3A_179 = tpu.memref_slice %arg2[%arg0, %dma_start3A_177, %dma_start3A_178] : memref<2x10240x64xf32, #tpu.memory_space<hbm>> -> memref<1x10240x64xf32, #tpu.memory_space<hbm>>
        %dma_start3A_180 = tpu.memref_squeeze %dma_start3A_179 : memref<1x10240x64xf32, #tpu.memory_space<hbm>> -> memref<10240x64xf32, #tpu.memory_space<hbm>>
        %dma_start3A_181 = arith.constant 0 : i32
        %dma_start3A_182 = arith.constant 0 : i32
        %dma_start3A_183 = tpu.memref_slice %dma_start3A_180[%dma_start3A_181, %dma_start3A_182] : memref<10240x64xf32, #tpu.memory_space<hbm>> -> memref<10240x64xf32, #tpu.memory_space<hbm>>
        tpu.enqueue_indirect_dma source(%dma_start3A_183 : memref<10240x64xf32, #tpu.memory_space<hbm>>) target(%arg11 : memref<128x64xf32, #tpu.memory_space<vmem>>) offsets(%dma_start3A_176 : memref<128xi32, #tpu.memory_space<vmem>>) semaphore(%arg14 : memref<!tpu.dma_semaphore, #tpu.memory_space<semaphore_mem>>)
      } else {
      }
      %add3A_112 = arith.constant 2 : i32
      %add3A_113 = arith.addi %add3A_55, %add3A_112 : i32
      %dma_wait3A_114 = arith.constant 0 : i32
      %dma_wait3A_115 = tpu.memref_slice %arg6[%add3A_113, %dma_wait3A_114] : memref<160x128xi32, #tpu.memory_space<vmem>> -> memref<1x128xi32, #tpu.memory_space<vmem>>
      %dma_wait3A_116 = tpu.memref_squeeze %dma_wait3A_115 : memref<1x128xi32, #tpu.memory_space<vmem>> -> memref<128xi32, #tpu.memory_space<vmem>>
      %dma_wait3A_117 = arith.constant 0 : i32
      %dma_wait3A_118 = arith.constant 0 : i32
      %dma_wait3A_119 = tpu.memref_slice %arg2[%arg0, %dma_wait3A_117, %dma_wait3A_118] : memref<2x10240x64xf32, #tpu.memory_space<hbm>> -> memref<1x10240x64xf32, #tpu.memory_space<hbm>>
      %dma_wait3A_120 = tpu.memref_squeeze %dma_wait3A_119 : memref<1x10240x64xf32, #tpu.memory_space<hbm>> -> memref<10240x64xf32, #tpu.memory_space<hbm>>
      %dma_wait3A_121 = arith.constant 0 : i32
      %dma_wait3A_122 = arith.constant 0 : i32
      %dma_wait3A_123 = tpu.memref_slice %dma_wait3A_120[%dma_wait3A_121, %dma_wait3A_122] : memref<10240x64xf32, #tpu.memory_space<hbm>> -> memref<10240x64xf32, #tpu.memory_space<hbm>>
      tpu.wait_indirect_dma semaphore(%arg14 : memref<!tpu.dma_semaphore, #tpu.memory_space<semaphore_mem>>) src(%dma_wait3A_123 : memref<10240x64xf32, #tpu.memory_space<hbm>>) dst(%arg10 : memref<128x64xf32, #tpu.memory_space<vmem>>)
      %dma_start3A_124 = arith.constant 0 : i32
      %dma_start3A_125 = tpu.memref_slice %arg7[%add3A_113, %dma_start3A_124] : memref<160x128xi32, #tpu.memory_space<vmem>> -> memref<1x128xi32, #tpu.memory_space<vmem>>
      %dma_start3A_126 = tpu.memref_squeeze %dma_start3A_125 : memref<1x128xi32, #tpu.memory_space<vmem>> -> memref<128xi32, #tpu.memory_space<vmem>>
      %dma_start3A_127 = arith.constant 0 : i32
      %dma_start3A_128 = arith.constant 0 : i32
      %dma_start3A_129 = tpu.memref_slice %arg13[%dma_start3A_127, %dma_start3A_128] : memref<10240x64xf32, #tpu.memory_space<vmem_shared>> -> memref<10240x64xf32, #tpu.memory_space<vmem_shared>>
      tpu.enqueue_indirect_dma source(%arg10 : memref<128x64xf32, #tpu.memory_space<vmem>>) target(%dma_start3A_129 : memref<10240x64xf32, #tpu.memory_space<vmem_shared>>) offsets(%dma_start3A_126 : memref<128xi32, #tpu.memory_space<vmem>>) semaphore(%arg15 : memref<!tpu.dma_semaphore, #tpu.memory_space<semaphore_mem>>) {add = true}
      %ge3A_130 = arith.constant 2 : i32
      %ge3A_131 = arith.cmpi sge, %add3A_113, %ge3A_130 : i32
      %convert_element_type3A_132 = arith.extui %ge3A_131 : i1 to i32
      %cond3A_133 = arith.constant 0 : i32
      %cond3A_134 = arith.cmpi ne, %convert_element_type3A_132, %cond3A_133 : i32
      scf.if %cond3A_134 {
        %dma_wait3A_172 = arith.constant 0 : i32
        %dma_wait3A_173 = tpu.memref_slice %arg7[%add3A_113, %dma_wait3A_172] : memref<160x128xi32, #tpu.memory_space<vmem>> -> memref<1x128xi32, #tpu.memory_space<vmem>>
        %dma_wait3A_174 = tpu.memref_squeeze %dma_wait3A_173 : memref<1x128xi32, #tpu.memory_space<vmem>> -> memref<128xi32, #tpu.memory_space<vmem>>
        %dma_wait3A_175 = arith.constant 0 : i32
        %dma_wait3A_176 = arith.constant 0 : i32
        %dma_wait3A_177 = tpu.memref_slice %arg13[%dma_wait3A_175, %dma_wait3A_176] : memref<10240x64xf32, #tpu.memory_space<vmem_shared>> -> memref<10240x64xf32, #tpu.memory_space<vmem_shared>>
        tpu.wait_indirect_dma semaphore(%arg15 : memref<!tpu.dma_semaphore, #tpu.memory_space<semaphore_mem>>) src(%arg8 : memref<128x64xf32, #tpu.memory_space<vmem>>) dst(%dma_wait3A_177 : memref<10240x64xf32, #tpu.memory_space<vmem_shared>>)
      } else {
      }
      %add3A_135 = arith.constant 2 : i32
      %add3A_136 = arith.addi %add3A_113, %add3A_135 : i32
      %lt3A_137 = arith.constant 160 : i32
      %lt3A_138 = arith.cmpi slt, %add3A_136, %lt3A_137 : i32
      %convert_element_type3A_139 = arith.extui %lt3A_138 : i1 to i32
      %cond3A_140 = arith.constant 0 : i32
      %cond3A_141 = arith.cmpi ne, %convert_element_type3A_139, %cond3A_140 : i32
      scf.if %cond3A_141 {
        %add3A_172 = arith.constant 2 : i32
        %add3A_173 = arith.addi %add3A_113, %add3A_172 : i32
        %dma_start3A_174 = arith.constant 0 : i32
        %dma_start3A_175 = tpu.memref_slice %arg6[%add3A_173, %dma_start3A_174] : memref<160x128xi32, #tpu.memory_space<vmem>> -> memref<1x128xi32, #tpu.memory_space<vmem>>
        %dma_start3A_176 = tpu.memref_squeeze %dma_start3A_175 : memref<1x128xi32, #tpu.memory_space<vmem>> -> memref<128xi32, #tpu.memory_space<vmem>>
        %dma_start3A_177 = arith.constant 0 : i32
        %dma_start3A_178 = arith.constant 0 : i32
        %dma_start3A_179 = tpu.memref_slice %arg2[%arg0, %dma_start3A_177, %dma_start3A_178] : memref<2x10240x64xf32, #tpu.memory_space<hbm>> -> memref<1x10240x64xf32, #tpu.memory_space<hbm>>
        %dma_start3A_180 = tpu.memref_squeeze %dma_start3A_179 : memref<1x10240x64xf32, #tpu.memory_space<hbm>> -> memref<10240x64xf32, #tpu.memory_space<hbm>>
        %dma_start3A_181 = arith.constant 0 : i32
        %dma_start3A_182 = arith.constant 0 : i32
        %dma_start3A_183 = tpu.memref_slice %dma_start3A_180[%dma_start3A_181, %dma_start3A_182] : memref<10240x64xf32, #tpu.memory_space<hbm>> -> memref<10240x64xf32, #tpu.memory_space<hbm>>
        tpu.enqueue_indirect_dma source(%dma_start3A_183 : memref<10240x64xf32, #tpu.memory_space<hbm>>) target(%arg8 : memref<128x64xf32, #tpu.memory_space<vmem>>) offsets(%dma_start3A_176 : memref<128xi32, #tpu.memory_space<vmem>>) semaphore(%arg14 : memref<!tpu.dma_semaphore, #tpu.memory_space<semaphore_mem>>)
      } else {
      }
      %add3A_142 = arith.constant 3 : i32
      %add3A_143 = arith.addi %add3A_55, %add3A_142 : i32
      %dma_wait3A_144 = arith.constant 0 : i32
      %dma_wait3A_145 = tpu.memref_slice %arg6[%add3A_143, %dma_wait3A_144] : memref<160x128xi32, #tpu.memory_space<vmem>> -> memref<1x128xi32, #tpu.memory_space<vmem>>
      %dma_wait3A_146 = tpu.memref_squeeze %dma_wait3A_145 : memref<1x128xi32, #tpu.memory_space<vmem>> -> memref<128xi32, #tpu.memory_space<vmem>>
      %dma_wait3A_147 = arith.constant 0 : i32
      %dma_wait3A_148 = arith.constant 0 : i32
      %dma_wait3A_149 = tpu.memref_slice %arg2[%arg0, %dma_wait3A_147, %dma_wait3A_148] : memref<2x10240x64xf32, #tpu.memory_space<hbm>> -> memref<1x10240x64xf32, #tpu.memory_space<hbm>>
      %dma_wait3A_150 = tpu.memref_squeeze %dma_wait3A_149 : memref<1x10240x64xf32, #tpu.memory_space<hbm>> -> memref<10240x64xf32, #tpu.memory_space<hbm>>
      %dma_wait3A_151 = arith.constant 0 : i32
      %dma_wait3A_152 = arith.constant 0 : i32
      %dma_wait3A_153 = tpu.memref_slice %dma_wait3A_150[%dma_wait3A_151, %dma_wait3A_152] : memref<10240x64xf32, #tpu.memory_space<hbm>> -> memref<10240x64xf32, #tpu.memory_space<hbm>>
      tpu.wait_indirect_dma semaphore(%arg14 : memref<!tpu.dma_semaphore, #tpu.memory_space<semaphore_mem>>) src(%dma_wait3A_153 : memref<10240x64xf32, #tpu.memory_space<hbm>>) dst(%arg11 : memref<128x64xf32, #tpu.memory_space<vmem>>)
      %dma_start3A_154 = arith.constant 0 : i32
      %dma_start3A_155 = tpu.memref_slice %arg7[%add3A_143, %dma_start3A_154] : memref<160x128xi32, #tpu.memory_space<vmem>> -> memref<1x128xi32, #tpu.memory_space<vmem>>
      %dma_start3A_156 = tpu.memref_squeeze %dma_start3A_155 : memref<1x128xi32, #tpu.memory_space<vmem>> -> memref<128xi32, #tpu.memory_space<vmem>>
      %dma_start3A_157 = arith.constant 0 : i32
      %dma_start3A_158 = arith.constant 0 : i32
      %dma_start3A_159 = tpu.memref_slice %arg13[%dma_start3A_157, %dma_start3A_158] : memref<10240x64xf32, #tpu.memory_space<vmem_shared>> -> memref<10240x64xf32, #tpu.memory_space<vmem_shared>>
      tpu.enqueue_indirect_dma source(%arg11 : memref<128x64xf32, #tpu.memory_space<vmem>>) target(%dma_start3A_159 : memref<10240x64xf32, #tpu.memory_space<vmem_shared>>) offsets(%dma_start3A_156 : memref<128xi32, #tpu.memory_space<vmem>>) semaphore(%arg15 : memref<!tpu.dma_semaphore, #tpu.memory_space<semaphore_mem>>) {add = true}
      %ge3A_160 = arith.constant 2 : i32
      %ge3A_161 = arith.cmpi sge, %add3A_143, %ge3A_160 : i32
      %convert_element_type3A_162 = arith.extui %ge3A_161 : i1 to i32
      %cond3A_163 = arith.constant 0 : i32
      %cond3A_164 = arith.cmpi ne, %convert_element_type3A_162, %cond3A_163 : i32
      scf.if %cond3A_164 {
        %dma_wait3A_172 = arith.constant 0 : i32
        %dma_wait3A_173 = tpu.memref_slice %arg7[%add3A_143, %dma_wait3A_172] : memref<160x128xi32, #tpu.memory_space<vmem>> -> memref<1x128xi32, #tpu.memory_space<vmem>>
        %dma_wait3A_174 = tpu.memref_squeeze %dma_wait3A_173 : memref<1x128xi32, #tpu.memory_space<vmem>> -> memref<128xi32, #tpu.memory_space<vmem>>
        %dma_wait3A_175 = arith.constant 0 : i32
        %dma_wait3A_176 = arith.constant 0 : i32
        %dma_wait3A_177 = tpu.memref_slice %arg13[%dma_wait3A_175, %dma_wait3A_176] : memref<10240x64xf32, #tpu.memory_space<vmem_shared>> -> memref<10240x64xf32, #tpu.memory_space<vmem_shared>>
        tpu.wait_indirect_dma semaphore(%arg15 : memref<!tpu.dma_semaphore, #tpu.memory_space<semaphore_mem>>) src(%arg9 : memref<128x64xf32, #tpu.memory_space<vmem>>) dst(%dma_wait3A_177 : memref<10240x64xf32, #tpu.memory_space<vmem_shared>>)
      } else {
      }
      %add3A_165 = arith.constant 2 : i32
      %add3A_166 = arith.addi %add3A_143, %add3A_165 : i32
      %lt3A_167 = arith.constant 160 : i32
      %lt3A_168 = arith.cmpi slt, %add3A_166, %lt3A_167 : i32
      %convert_element_type3A_169 = arith.extui %lt3A_168 : i1 to i32
      %cond3A_170 = arith.constant 0 : i32
      %cond3A_171 = arith.cmpi ne, %convert_element_type3A_169, %cond3A_170 : i32
      scf.if %cond3A_171 {
        %add3A_172 = arith.constant 2 : i32
        %add3A_173 = arith.addi %add3A_143, %add3A_172 : i32
        %dma_start3A_174 = arith.constant 0 : i32
        %dma_start3A_175 = tpu.memref_slice %arg6[%add3A_173, %dma_start3A_174] : memref<160x128xi32, #tpu.memory_space<vmem>> -> memref<1x128xi32, #tpu.memory_space<vmem>>
        %dma_start3A_176 = tpu.memref_squeeze %dma_start3A_175 : memref<1x128xi32, #tpu.memory_space<vmem>> -> memref<128xi32, #tpu.memory_space<vmem>>
        %dma_start3A_177 = arith.constant 0 : i32
        %dma_start3A_178 = arith.constant 0 : i32
        %dma_start3A_179 = tpu.memref_slice %arg2[%arg0, %dma_start3A_177, %dma_start3A_178] : memref<2x10240x64xf32, #tpu.memory_space<hbm>> -> memref<1x10240x64xf32, #tpu.memory_space<hbm>>
        %dma_start3A_180 = tpu.memref_squeeze %dma_start3A_179 : memref<1x10240x64xf32, #tpu.memory_space<hbm>> -> memref<10240x64xf32, #tpu.memory_space<hbm>>
        %dma_start3A_181 = arith.constant 0 : i32
        %dma_start3A_182 = arith.constant 0 : i32
        %dma_start3A_183 = tpu.memref_slice %dma_start3A_180[%dma_start3A_181, %dma_start3A_182] : memref<10240x64xf32, #tpu.memory_space<hbm>> -> memref<10240x64xf32, #tpu.memory_space<hbm>>
        tpu.enqueue_indirect_dma source(%dma_start3A_183 : memref<10240x64xf32, #tpu.memory_space<hbm>>) target(%arg9 : memref<128x64xf32, #tpu.memory_space<vmem>>) offsets(%dma_start3A_176 : memref<128xi32, #tpu.memory_space<vmem>>) semaphore(%arg14 : memref<!tpu.dma_semaphore, #tpu.memory_space<semaphore_mem>>)
      } else {
      }
    }
    %scan3A_34 = arith.constant 40 : i32
    %dma_wait3A = arith.constant 0 : i32
    %dma_wait3A_35 = arith.constant 0 : i32
    %dma_wait3A_36 = tpu.memref_slice %arg7[%dma_wait3A, %dma_wait3A_35] : memref<160x128xi32, #tpu.memory_space<vmem>> -> memref<1x128xi32, #tpu.memory_space<vmem>>
    %dma_wait3A_37 = tpu.memref_squeeze %dma_wait3A_36 : memref<1x128xi32, #tpu.memory_space<vmem>> -> memref<128xi32, #tpu.memory_space<vmem>>
    %dma_wait3A_38 = arith.constant 0 : i32
    %dma_wait3A_39 = arith.constant 0 : i32
    %dma_wait3A_40 = tpu.memref_slice %arg13[%dma_wait3A_38, %dma_wait3A_39] : memref<10240x64xf32, #tpu.memory_space<vmem_shared>> -> memref<10240x64xf32, #tpu.memory_space<vmem_shared>>
    tpu.wait_indirect_dma semaphore(%arg15 : memref<!tpu.dma_semaphore, #tpu.memory_space<semaphore_mem>>) src(%arg8 : memref<128x64xf32, #tpu.memory_space<vmem>>) dst(%dma_wait3A_40 : memref<10240x64xf32, #tpu.memory_space<vmem_shared>>)
    %dma_wait3A_41 = arith.constant 1 : i32
    %dma_wait3A_42 = arith.constant 0 : i32
    %dma_wait3A_43 = tpu.memref_slice %arg7[%dma_wait3A_41, %dma_wait3A_42] : memref<160x128xi32, #tpu.memory_space<vmem>> -> memref<1x128xi32, #tpu.memory_space<vmem>>
    %dma_wait3A_44 = tpu.memref_squeeze %dma_wait3A_43 : memref<1x128xi32, #tpu.memory_space<vmem>> -> memref<128xi32, #tpu.memory_space<vmem>>
    %dma_wait3A_45 = arith.constant 0 : i32
    %dma_wait3A_46 = arith.constant 0 : i32
    %dma_wait3A_47 = tpu.memref_slice %arg13[%dma_wait3A_45, %dma_wait3A_46] : memref<10240x64xf32, #tpu.memory_space<vmem_shared>> -> memref<10240x64xf32, #tpu.memory_space<vmem_shared>>
    tpu.wait_indirect_dma semaphore(%arg15 : memref<!tpu.dma_semaphore, #tpu.memory_space<semaphore_mem>>) src(%arg9 : memref<128x64xf32, #tpu.memory_space<vmem>>) dst(%dma_wait3A_47 : memref<10240x64xf32, #tpu.memory_space<vmem_shared>>)
    %barrier3A_48 = arith.constant 0 : index
    tpu.barrier barrier_id(%barrier3A_48)
    %mul3A = arith.constant 640 : i32
    %mul3A_49 = arith.muli %arg1, %mul3A : i32
    %mul3A_50 = arith.constant 640 : i32
    %mul3A_51 = arith.muli %arg1, %mul3A_50 : i32
    "tpu.region"() ({
      %run_scoped3A = tpu.sem_alloc : memref<!tpu.dma_semaphore, #tpu.memory_space<semaphore_mem>>
      %dma_start3A_52 = arith.constant 0 : i32
      %dma_start3A_53 = tpu.memref_slice %arg5[%arg0, %mul3A_51, %dma_start3A_52] : memref<2x10240x64xf32, #tpu.memory_space<hbm>> -> memref<1x640x64xf32, #tpu.memory_space<hbm>>
      %dma_start3A_54 = tpu.memref_squeeze %dma_start3A_53 : memref<1x640x64xf32, #tpu.memory_space<hbm>> -> memref<640x64xf32, #tpu.memory_space<hbm>>
      %dma_start3A_55 = arith.constant 0 : i32
      %dma_start3A_56 = tpu.memref_slice %arg13[%mul3A_49, %dma_start3A_55] : memref<10240x64xf32, #tpu.memory_space<vmem_shared>> -> memref<640x64xf32, #tpu.memory_space<vmem_shared>>
      tpu.enqueue_dma source(%dma_start3A_56 : memref<640x64xf32, #tpu.memory_space<vmem_shared>>) target(%dma_start3A_54 : memref<640x64xf32, #tpu.memory_space<hbm>>) target_semaphore(%run_scoped3A : memref<!tpu.dma_semaphore, #tpu.memory_space<semaphore_mem>>)
      %dma_wait3A_57 = arith.constant 0 : i32
      %dma_wait3A_58 = tpu.memref_slice %arg5[%arg0, %mul3A_51, %dma_wait3A_57] : memref<2x10240x64xf32, #tpu.memory_space<hbm>> -> memref<1x640x64xf32, #tpu.memory_space<hbm>>
      %dma_wait3A_59 = tpu.memref_squeeze %dma_wait3A_58 : memref<1x640x64xf32, #tpu.memory_space<hbm>> -> memref<640x64xf32, #tpu.memory_space<hbm>>
      %dma_wait3A_60 = arith.constant 0 : i32
      %dma_wait3A_61 = tpu.memref_slice %arg13[%mul3A_49, %dma_wait3A_60] : memref<10240x64xf32, #tpu.memory_space<vmem_shared>> -> memref<640x64xf32, #tpu.memory_space<vmem_shared>>
      tpu.wait_dma2 semaphore(%run_scoped3A : memref<!tpu.dma_semaphore, #tpu.memory_space<semaphore_mem>>) src(%dma_wait3A_61 : memref<640x64xf32, #tpu.memory_space<vmem_shared>>) dst(%dma_wait3A_59 : memref<640x64xf32, #tpu.memory_space<hbm>>)
      tpu.yield
    }) : () -> ()
    return
  }
}

module attributes {stable_mosaic.version = 14 : i64} {
  func.func @_norm_body(%arg0: i32, %arg1: memref<32x2x1280xf32, #tpu.memory_space<vmem>>, %arg2: memref<128x1280xf32, #tpu.memory_space<vmem>>, %arg3: memref<2x1280x64xf32, #tpu.memory_space<vmem>>, %arg4: memref<1280x2xf32, #tpu.memory_space<vmem>>) attributes {dimension_semantics = [#tpu.dimension_semantics<arbitrary>], iteration_bounds = array<i64: 8>, scalar_prefetch = 0 : i64, scratch_operands = 0 : i64, tpu.core_type = #tpu.core_type<tc>, window_params = [{transform_indices = @transform_0, window_bounds = array<i64: 32, 2, 1280>}, {transform_indices = @transform_1, window_bounds = array<i64: 128, 1280>}, {transform_indices = @transform_2, window_bounds = array<i64: 2, 1280, 64>}, {transform_indices = @transform_3, window_bounds = array<i64: 1280, 2>}]} {
    %get3A = arith.constant 0 : index
    %get3A_0 = arith.constant 0 : index
    %get3A_1 = arith.constant 0 : index
    %get3A_2 = vector.load %arg1[%get3A, %get3A_0, %get3A_1] : memref<32x2x1280xf32, #tpu.memory_space<vmem>>, vector<32x2x1280xf32>
    %reduce_sum3A = arith.constant dense<0.000000e+00> : vector<2x1280xf32>
    %reduce_sum3A_3 = vector.multi_reduction <add>, %get3A_2, %reduce_sum3A [0] : vector<32x2x1280xf32> to vector<2x1280xf32>
    %max3A = arith.constant 1.000000e+00 : f32
    %max3A_4 = vector.broadcast %max3A : f32 to vector<2x1280xf32>
    %max3A_5 = arith.maximumf %reduce_sum3A_3, %max3A_4 : vector<2x1280xf32>
    %rsqrt3A = math.rsqrt %max3A_5 : vector<2x1280xf32>
    %transpose3A = tpu.transpose %rsqrt3A, [1, 0] : vector<2x1280xf32> -> vector<1280x2xf32>
    %swap3A = arith.constant 0 : index
    %swap3A_6 = arith.constant 0 : index
    %swap3A_7 = vector.load %arg4[%swap3A, %swap3A_6] : memref<1280x2xf32, #tpu.memory_space<vmem>>, vector<1280x2xf32>
    tpu.vector_store %arg4[%swap3A, %swap3A_6], %transpose3A {strides = array<i32>} : memref<1280x2xf32, #tpu.memory_space<vmem>>, vector<1280x2xf32>,
    %get3A_8 = arith.constant 0 : index
    %get3A_9 = arith.constant 0 : index
    %get3A_10 = vector.load %arg2[%get3A_8, %get3A_9] : memref<128x1280xf32, #tpu.memory_space<vmem>>, vector<128x1280xf32>
    %slice3A = vector.extract_strided_slice %rsqrt3A {offsets = [0, 0], sizes = [1, 1280], strides = [1, 1]} : vector<2x1280xf32> to vector<1x1280xf32>
    %mul3A = vector.broadcast %slice3A : vector<1x1280xf32> to vector<128x1280xf32>
    %mul3A_11 = arith.mulf %get3A_10, %mul3A : vector<128x1280xf32>
    %transpose3A_12 = tpu.transpose %mul3A_11, [1, 0] : vector<128x1280xf32> -> vector<1280x128xf32>
    %slice3A_13 = vector.extract_strided_slice %transpose3A_12 {offsets = [0, 0], sizes = [1280, 64], strides = [1, 1]} : vector<1280x128xf32> to vector<1280x64xf32>
    %swap3A_14 = arith.constant 0 : index
    %swap3A_15 = arith.constant 0 : index
    %swap3A_16 = arith.constant 0 : index
    %swap3A_17 = vector.load %arg3[%swap3A_14, %swap3A_15, %swap3A_16] : memref<2x1280x64xf32, #tpu.memory_space<vmem>>, vector<1x1280x64xf32>
    %swap3A_18 = vector.shape_cast %swap3A_17 : vector<1x1280x64xf32> to vector<1280x64xf32>
    %swap3A_19 = vector.shape_cast %slice3A_13 : vector<1280x64xf32> to vector<1x1280x64xf32>
    tpu.vector_store %arg3[%swap3A_14, %swap3A_15, %swap3A_16], %swap3A_19 {strides = array<i32>} : memref<2x1280x64xf32, #tpu.memory_space<vmem>>, vector<1x1280x64xf32>,
    %slice3A_20 = vector.extract_strided_slice %transpose3A_12 {offsets = [0, 64], sizes = [1280, 64], strides = [1, 1]} : vector<1280x128xf32> to vector<1280x64xf32>
    %swap3A_21 = arith.constant 1 : index
    %swap3A_22 = arith.constant 0 : index
    %swap3A_23 = arith.constant 0 : index
    %swap3A_24 = vector.load %arg3[%swap3A_21, %swap3A_22, %swap3A_23] : memref<2x1280x64xf32, #tpu.memory_space<vmem>>, vector<1x1280x64xf32>
    %swap3A_25 = vector.shape_cast %swap3A_24 : vector<1x1280x64xf32> to vector<1280x64xf32>
    %swap3A_26 = vector.shape_cast %slice3A_20 : vector<1280x64xf32> to vector<1x1280x64xf32>
    tpu.vector_store %arg3[%swap3A_21, %swap3A_22, %swap3A_23], %swap3A_26 {strides = array<i32>} : memref<2x1280x64xf32, #tpu.memory_space<vmem>>, vector<1x1280x64xf32>,
    return
  }
  func.func @transform_0(%arg0: i32) -> (i32, i32, i32) {
    %c0_i32 = arith.constant 0 : i32
    %c0_i32_0 = arith.constant 0 : i32
    %c0_i32_1 = arith.constant 0 : i32
    return %c0_i32, %c0_i32_0, %arg0 : i32, i32, i32
  }
  func.func @transform_1(%arg0: i32) -> (i32, i32) {
    %c0_i32 = arith.constant 0 : i32
    %c0_i32_0 = arith.constant 0 : i32
    return %c0_i32, %arg0 : i32, i32
  }
  func.func @transform_2(%arg0: i32) -> (i32, i32, i32) {
    %c0_i32 = arith.constant 0 : i32
    %c0_i32_0 = arith.constant 0 : i32
    %c0_i32_1 = arith.constant 0 : i32
    return %c0_i32, %arg0, %c0_i32_0 : i32, i32, i32
  }
  func.func @transform_3(%arg0: i32) -> (i32, i32) {
    %c0_i32 = arith.constant 0 : i32
    %c0_i32_0 = arith.constant 0 : i32
    return %arg0, %c0_i32 : i32, i32
  }
}

module attributes {stable_mosaic.version = 14 : i64} {
  func.func @_mm_body(%arg0: i32, %arg1: memref<2x1280x64xf32, #tpu.memory_space<vmem>>, %arg2: memref<1280x2xf32, #tpu.memory_space<vmem>>, %arg3: memref<128x128xf32, #tpu.memory_space<vmem>>, %arg4: memref<1x128xf32, #tpu.memory_space<vmem>>, %arg5: memref<2x1280x64xf32, #tpu.memory_space<vmem>>) attributes {dimension_semantics = [#tpu.dimension_semantics<arbitrary>], iteration_bounds = array<i64: 8>, scalar_prefetch = 0 : i64, scratch_operands = 0 : i64, tpu.core_type = #tpu.core_type<tc>, window_params = [{transform_indices = @transform_0, window_bounds = array<i64: 2, 1280, 64>}, {transform_indices = @transform_1, window_bounds = array<i64: 1280, 2>}, {pipeline_mode = #tpu.pipeline_mode<synchronous>, transform_indices = @transform_2, window_bounds = array<i64: 128, 128>}, {pipeline_mode = #tpu.pipeline_mode<synchronous>, transform_indices = @transform_3, window_bounds = array<i64: 1, 128>}, {transform_indices = @transform_4, window_bounds = array<i64: 2, 1280, 64>}]} {
    %get3A = arith.constant 0 : index
    %get3A_0 = arith.constant 0 : index
    %get3A_1 = vector.load %arg2[%get3A, %get3A_0] : memref<1280x2xf32, #tpu.memory_space<vmem>>, vector<1280x2xf32>
    %slice3A = vector.extract_strided_slice %get3A_1 {offsets = [0, 1], sizes = [1280, 1], strides = [1, 1]} : vector<1280x2xf32> to vector<1280x1xf32>
    %get3A_2 = arith.constant 0 : index
    %get3A_3 = arith.constant 0 : index
    %get3A_4 = arith.constant 0 : index
    %get3A_5 = vector.load %arg1[%get3A_2, %get3A_3, %get3A_4] : memref<2x1280x64xf32, #tpu.memory_space<vmem>>, vector<1x1280x64xf32>
    %get3A_6 = vector.shape_cast %get3A_5 : vector<1x1280x64xf32> to vector<1280x64xf32>
    %mul3A = vector.broadcast %slice3A : vector<1280x1xf32> to vector<1280x64xf32>
    %mul3A_7 = arith.mulf %get3A_6, %mul3A : vector<1280x64xf32>
    %get3A_8 = arith.constant 0 : index
    %get3A_9 = arith.constant 0 : index
    %get3A_10 = vector.load %arg3[%get3A_8, %get3A_9] : memref<128x128xf32, #tpu.memory_space<vmem>>, vector<64x128xf32>
    %dot_general3A = arith.constant dense<0.000000e+00> : vector<1280x128xf32>
    %dot_general3A_11 = tpu.matmul %mul3A_7, %get3A_10, %dot_general3A {dimension_numbers = #tpu.dot_dimension_numbers<[1], [0], [0], [1], [0, 0, 1, 1], [], []>, transpose_lhs_hint = false} : vector<1280x64xf32>, vector<64x128xf32>, vector<1280x128xf32> -> vector<1280x128xf32>
    %get3A_12 = arith.constant 1 : index
    %get3A_13 = arith.constant 0 : index
    %get3A_14 = arith.constant 0 : index
    %get3A_15 = vector.load %arg1[%get3A_12, %get3A_13, %get3A_14] : memref<2x1280x64xf32, #tpu.memory_space<vmem>>, vector<1x1280x64xf32>
    %get3A_16 = vector.shape_cast %get3A_15 : vector<1x1280x64xf32> to vector<1280x64xf32>
    %mul3A_17 = vector.broadcast %slice3A : vector<1280x1xf32> to vector<1280x64xf32>
    %mul3A_18 = arith.mulf %get3A_16, %mul3A_17 : vector<1280x64xf32>
    %get3A_19 = arith.constant 64 : index
    %get3A_20 = arith.constant 0 : index
    %get3A_21 = vector.load %arg3[%get3A_19, %get3A_20] : memref<128x128xf32, #tpu.memory_space<vmem>>, vector<64x128xf32>
    %dot_general3A_22 = arith.constant dense<0.000000e+00> : vector<1280x128xf32>
    %dot_general3A_23 = tpu.matmul %mul3A_18, %get3A_21, %dot_general3A_22 {dimension_numbers = #tpu.dot_dimension_numbers<[1], [0], [0], [1], [0, 0, 1, 1], [], []>, transpose_lhs_hint = false} : vector<1280x64xf32>, vector<64x128xf32>, vector<1280x128xf32> -> vector<1280x128xf32>
    %add3A = arith.addf %dot_general3A_11, %dot_general3A_23 : vector<1280x128xf32>
    %get3A_24 = arith.constant 0 : index
    %get3A_25 = arith.constant 0 : index
    %get3A_26 = vector.load %arg4[%get3A_24, %get3A_25] : memref<1x128xf32, #tpu.memory_space<vmem>>, vector<1x128xf32>
    %add3A_27 = vector.broadcast %get3A_26 : vector<1x128xf32> to vector<1280x128xf32>
    %add3A_28 = arith.addf %add3A, %add3A_27 : vector<1280x128xf32>
    %max3A = arith.constant 0.000000e+00 : f32
    %max3A_29 = vector.broadcast %max3A : f32 to vector<1280x128xf32>
    %max3A_30 = arith.maximumf %add3A_28, %max3A_29 : vector<1280x128xf32>
    %slice3A_31 = vector.extract_strided_slice %get3A_1 {offsets = [0, 0], sizes = [1280, 1], strides = [1, 1]} : vector<1280x2xf32> to vector<1280x1xf32>
    %mul3A_32 = vector.broadcast %slice3A_31 : vector<1280x1xf32> to vector<1280x128xf32>
    %mul3A_33 = arith.mulf %max3A_30, %mul3A_32 : vector<1280x128xf32>
    %slice3A_34 = vector.extract_strided_slice %mul3A_33 {offsets = [0, 0], sizes = [1280, 64], strides = [1, 1]} : vector<1280x128xf32> to vector<1280x64xf32>
    %swap3A = arith.constant 0 : index
    %swap3A_35 = arith.constant 0 : index
    %swap3A_36 = arith.constant 0 : index
    %swap3A_37 = vector.load %arg5[%swap3A, %swap3A_35, %swap3A_36] : memref<2x1280x64xf32, #tpu.memory_space<vmem>>, vector<1x1280x64xf32>
    %swap3A_38 = vector.shape_cast %swap3A_37 : vector<1x1280x64xf32> to vector<1280x64xf32>
    %swap3A_39 = vector.shape_cast %slice3A_34 : vector<1280x64xf32> to vector<1x1280x64xf32>
    tpu.vector_store %arg5[%swap3A, %swap3A_35, %swap3A_36], %swap3A_39 {strides = array<i32>} : memref<2x1280x64xf32, #tpu.memory_space<vmem>>, vector<1x1280x64xf32>,
    %slice3A_40 = vector.extract_strided_slice %mul3A_33 {offsets = [0, 64], sizes = [1280, 64], strides = [1, 1]} : vector<1280x128xf32> to vector<1280x64xf32>
    %swap3A_41 = arith.constant 1 : index
    %swap3A_42 = arith.constant 0 : index
    %swap3A_43 = arith.constant 0 : index
    %swap3A_44 = vector.load %arg5[%swap3A_41, %swap3A_42, %swap3A_43] : memref<2x1280x64xf32, #tpu.memory_space<vmem>>, vector<1x1280x64xf32>
    %swap3A_45 = vector.shape_cast %swap3A_44 : vector<1x1280x64xf32> to vector<1280x64xf32>
    %swap3A_46 = vector.shape_cast %slice3A_40 : vector<1280x64xf32> to vector<1x1280x64xf32>
    tpu.vector_store %arg5[%swap3A_41, %swap3A_42, %swap3A_43], %swap3A_46 {strides = array<i32>} : memref<2x1280x64xf32, #tpu.memory_space<vmem>>, vector<1x1280x64xf32>,
    return
  }
  func.func @transform_0(%arg0: i32) -> (i32, i32, i32) {
    %c0_i32 = arith.constant 0 : i32
    %c0_i32_0 = arith.constant 0 : i32
    %c0_i32_1 = arith.constant 0 : i32
    return %c0_i32, %arg0, %c0_i32_0 : i32, i32, i32
  }
  func.func @transform_1(%arg0: i32) -> (i32, i32) {
    %c0_i32 = arith.constant 0 : i32
    %c0_i32_0 = arith.constant 0 : i32
    return %arg0, %c0_i32 : i32, i32
  }
  func.func @transform_2(%arg0: i32) -> (i32, i32) {
    %c0_i32 = arith.constant 0 : i32
    %c0_i32_0 = arith.constant 0 : i32
    %c0_i32_1 = arith.constant 0 : i32
    return %c0_i32, %c0_i32_0 : i32, i32
  }
  func.func @transform_3(%arg0: i32) -> (i32, i32) {
    %c0_i32 = arith.constant 0 : i32
    %c0_i32_0 = arith.constant 0 : i32
    %c0_i32_1 = arith.constant 0 : i32
    return %c0_i32, %c0_i32_0 : i32, i32
  }
  func.func @transform_4(%arg0: i32) -> (i32, i32, i32) {
    %c0_i32 = arith.constant 0 : i32
    %c0_i32_0 = arith.constant 0 : i32
    %c0_i32_1 = arith.constant 0 : i32
    return %c0_i32, %arg0, %c0_i32_0 : i32, i32, i32
  }
}

module attributes {stable_mosaic.version = 14 : i64} {
  func.func @_mm_body(%arg0: i32, %arg1: memref<2x1280x64xf32, #tpu.memory_space<vmem>>, %arg2: memref<1280x2xf32, #tpu.memory_space<vmem>>, %arg3: memref<128x128xf32, #tpu.memory_space<vmem>>, %arg4: memref<1x128xf32, #tpu.memory_space<vmem>>, %arg5: memref<1280x128xf32, #tpu.memory_space<vmem>>) attributes {dimension_semantics = [#tpu.dimension_semantics<arbitrary>], iteration_bounds = array<i64: 8>, scalar_prefetch = 0 : i64, scratch_operands = 0 : i64, tpu.core_type = #tpu.core_type<tc>, window_params = [{transform_indices = @transform_0, window_bounds = array<i64: 2, 1280, 64>}, {transform_indices = @transform_1, window_bounds = array<i64: 1280, 2>}, {pipeline_mode = #tpu.pipeline_mode<synchronous>, transform_indices = @transform_2, window_bounds = array<i64: 128, 128>}, {pipeline_mode = #tpu.pipeline_mode<synchronous>, transform_indices = @transform_3, window_bounds = array<i64: 1, 128>}, {transform_indices = @transform_4, window_bounds = array<i64: 1280, 128>}]} {
    %get3A = arith.constant 0 : index
    %get3A_0 = arith.constant 0 : index
    %get3A_1 = vector.load %arg2[%get3A, %get3A_0] : memref<1280x2xf32, #tpu.memory_space<vmem>>, vector<1280x2xf32>
    %slice3A = vector.extract_strided_slice %get3A_1 {offsets = [0, 1], sizes = [1280, 1], strides = [1, 1]} : vector<1280x2xf32> to vector<1280x1xf32>
    %get3A_2 = arith.constant 0 : index
    %get3A_3 = arith.constant 0 : index
    %get3A_4 = arith.constant 0 : index
    %get3A_5 = vector.load %arg1[%get3A_2, %get3A_3, %get3A_4] : memref<2x1280x64xf32, #tpu.memory_space<vmem>>, vector<1x1280x64xf32>
    %get3A_6 = vector.shape_cast %get3A_5 : vector<1x1280x64xf32> to vector<1280x64xf32>
    %mul3A = vector.broadcast %slice3A : vector<1280x1xf32> to vector<1280x64xf32>
    %mul3A_7 = arith.mulf %get3A_6, %mul3A : vector<1280x64xf32>
    %get3A_8 = arith.constant 0 : index
    %get3A_9 = arith.constant 0 : index
    %get3A_10 = vector.load %arg3[%get3A_8, %get3A_9] : memref<128x128xf32, #tpu.memory_space<vmem>>, vector<64x128xf32>
    %dot_general3A = arith.constant dense<0.000000e+00> : vector<1280x128xf32>
    %dot_general3A_11 = tpu.matmul %mul3A_7, %get3A_10, %dot_general3A {dimension_numbers = #tpu.dot_dimension_numbers<[1], [0], [0], [1], [0, 0, 1, 1], [], []>, transpose_lhs_hint = false} : vector<1280x64xf32>, vector<64x128xf32>, vector<1280x128xf32> -> vector<1280x128xf32>
    %get3A_12 = arith.constant 1 : index
    %get3A_13 = arith.constant 0 : index
    %get3A_14 = arith.constant 0 : index
    %get3A_15 = vector.load %arg1[%get3A_12, %get3A_13, %get3A_14] : memref<2x1280x64xf32, #tpu.memory_space<vmem>>, vector<1x1280x64xf32>
    %get3A_16 = vector.shape_cast %get3A_15 : vector<1x1280x64xf32> to vector<1280x64xf32>
    %mul3A_17 = vector.broadcast %slice3A : vector<1280x1xf32> to vector<1280x64xf32>
    %mul3A_18 = arith.mulf %get3A_16, %mul3A_17 : vector<1280x64xf32>
    %get3A_19 = arith.constant 64 : index
    %get3A_20 = arith.constant 0 : index
    %get3A_21 = vector.load %arg3[%get3A_19, %get3A_20] : memref<128x128xf32, #tpu.memory_space<vmem>>, vector<64x128xf32>
    %dot_general3A_22 = arith.constant dense<0.000000e+00> : vector<1280x128xf32>
    %dot_general3A_23 = tpu.matmul %mul3A_18, %get3A_21, %dot_general3A_22 {dimension_numbers = #tpu.dot_dimension_numbers<[1], [0], [0], [1], [0, 0, 1, 1], [], []>, transpose_lhs_hint = false} : vector<1280x64xf32>, vector<64x128xf32>, vector<1280x128xf32> -> vector<1280x128xf32>
    %add3A = arith.addf %dot_general3A_11, %dot_general3A_23 : vector<1280x128xf32>
    %get3A_24 = arith.constant 0 : index
    %get3A_25 = arith.constant 0 : index
    %get3A_26 = vector.load %arg4[%get3A_24, %get3A_25] : memref<1x128xf32, #tpu.memory_space<vmem>>, vector<1x128xf32>
    %add3A_27 = vector.broadcast %get3A_26 : vector<1x128xf32> to vector<1280x128xf32>
    %add3A_28 = arith.addf %add3A, %add3A_27 : vector<1280x128xf32>
    %swap3A = arith.constant 0 : index
    %swap3A_29 = arith.constant 0 : index
    %swap3A_30 = vector.load %arg5[%swap3A, %swap3A_29] : memref<1280x128xf32, #tpu.memory_space<vmem>>, vector<1280x128xf32>
    tpu.vector_store %arg5[%swap3A, %swap3A_29], %add3A_28 {strides = array<i32>} : memref<1280x128xf32, #tpu.memory_space<vmem>>, vector<1280x128xf32>,
    return
  }
  func.func @transform_0(%arg0: i32) -> (i32, i32, i32) {
    %c0_i32 = arith.constant 0 : i32
    %c0_i32_0 = arith.constant 0 : i32
    %c0_i32_1 = arith.constant 0 : i32
    return %c0_i32, %arg0, %c0_i32_0 : i32, i32, i32
  }
  func.func @transform_1(%arg0: i32) -> (i32, i32) {
    %c0_i32 = arith.constant 0 : i32
    %c0_i32_0 = arith.constant 0 : i32
    return %arg0, %c0_i32 : i32, i32
  }
  func.func @transform_2(%arg0: i32) -> (i32, i32) {
    %c0_i32 = arith.constant 0 : i32
    %c0_i32_0 = arith.constant 0 : i32
    %c0_i32_1 = arith.constant 0 : i32
    return %c0_i32, %c0_i32_0 : i32, i32
  }
  func.func @transform_3(%arg0: i32) -> (i32, i32) {
    %c0_i32 = arith.constant 0 : i32
    %c0_i32_0 = arith.constant 0 : i32
    %c0_i32_1 = arith.constant 0 : i32
    return %c0_i32, %c0_i32_0 : i32, i32
  }
  func.func @transform_4(%arg0: i32) -> (i32, i32) {
    %c0_i32 = arith.constant 0 : i32
    %c0_i32_0 = arith.constant 0 : i32
    return %arg0, %c0_i32 : i32, i32
  }
}

</mosaic_0001>

<sc_bundles>
// kernel: kernel.11.cloned.1.call-start
scs
__scs_entry_jumppad:
0x0: {  	(pc) =	sbr.rel $0x88, $3  }
0x1: {  	(tag) =	ssettag $0x0;
	lr =	simm.s32 $0x1  }
0x2: {  	[smem:$0x3F9B] =	sst lr;
	_ =	strace $0xD0000000  }
0x3: {  	_ = 	snop  }
0x4: {  	_ = 	snop  }
0x5: {  	_ = 	snop  }
0x6: {  	_ = 	snop  }
0x7: {  	_ = 	snop  }
__scs_overlays_trampoline_lowered:
0x8: {  	[smem:$0x3FAA] =	sst s0  }
0x9: {  	[smem:$0x3FAB] =	sst s1  }
0xa: {  	[smem:$0x3FAC] =	sst s2  }
0xb: {  	[smem:$0x3FAD] =	sst s3  }
0xc: {  	[smem:$0x3FAE] =	sst s4  }
0xd: {  	[smem:$0x3FAF] =	sst s5  }
0xe: {  	[smem:$0x3FB0] =	sst s6  }
0xf: {  	[smem:$0x3FB1] =	sst s7  }
0x10: {  	[smem:$0x3FB2] =	sst s8  }
0x11: {  	[smem:$0x3FB3] =	sst s9;
	s0 =	simm.s32 @!p0 $0x0  }
0x12: {  	s1 =	sld [smem:$0x3F99];
	s0 =	simm.s32 @p0 $0x1  }
0x13: {  	[smem:$0x3FB4] =	sst s0;
	s0 =	simm.s32 @!p1 $0x0  }
0x14: {  	s2 =	sld [smem:$0x3F98];
	s0 =	simm.s32 @p1 $0x1  }
0x15: {  	[smem:$0x3FB5] =	sst s0;
	s0 =	simm.s32 @!p2 $0x0  }
0x16: {  	s3 =	sld [smem:$0x3FDB];
	s0 =	simm.s32 @p2 $0x1  }
0x17: {  	s4 =	simm.s32 $0x1BF5;
	[smem:$0x3FB7] =	sst s0  }
0x18: {  	s0 =	sld [smem:$0x3F9A];
	_ =	swait.ge [sflag:s4], $0x0  }
0x19: {  	s7 =	sld [smem:$0x3F9B]  }
0x1a: {  	s8 =	sadd.s32 $0xFFFFE003, lr  }
0x1b: {  	s9 =	sadd.s32 $0xFFFFFEF7, lr;
	s5 =	simm.s32 $0xFFFFFFFF;
	p2 =	slt.u32 s8, $0xFFFFF086  }
0x1c: {  	p1 =	slt.u32 s9, $0xF7A;
	s5 =	simm.s32 @!p2 $0x0  }
0x1d: {  	s5 =	simm.s32 @p1 $0x1;
	p0 =	seq.s32 s7, s2  }
0x1e: {  	s7 =	smul.u32 @!p0 $0xF7A, s2;
	p2 =	seq.s32 @!p0 s5, $0x0  }
0x1f: {  	s9 =	smul.u32 $0xF7A, s1;
	s8 =	simm.s32 @!p0 $0x1BF5;
	p2 =	por !p2, p0  }
0x20: {  	[sflag:s8] =	ssyncset.s32 @!p0 $0xFFFFF086;
	s6 =	sadd.s32 @!p0 s3, s7;
	s7 =	simm.s32 @!p0 $0x108  }
0x21: {  	s3 =	sadd.s32 s3, s9;
	s6 =	sadd.s32 @!p0 $0x88, s6;
	s7 =	simm.s32 @p2 $0x1082  }
0x22: {  	[simem:s7], [sflag:s8] =	dma.local @!p0 [hbm:s6], $0xF7A  }
0x23: {  	s9 =	sor.u32 $0xD0000000, s2;
	s6 =	simm.s32 $0x108;
	_ =	swait.ge @!p0 [sflag:s8], $0x0  }
0x24: {  	s3 =	sadd.s32 $0x88, s3;
	s6 =	simm.s32 @!p1 $0x1082;
	[sflag:s4] =	ssyncset.s32 $0xFFFFF086  }
0x25: {  	[simem:s6], [sflag:s4] =	dma.local [hbm:s3], $0xF7A  }
0x26: {  	[smem:$0x3F9B] =	sst s1;
	(tag) =	ssettag s2;
	_ =	strace s9  }
0x27: {  	s1 =	sld [smem:$0x3FAB]  }
0x28: {  	s2 =	sld [smem:$0x3FAC]  }
0x29: {  	s4 =	sld [smem:$0x3FAE]  }
0x2a: {  	p0 =	seq.s32 s5, $0x0;
	s5 =	sld [smem:$0x3FAF]  }
0x2b: {  	s6 =	sld [smem:$0x3FB0]  }
0x2c: {  	s7 =	sld [smem:$0x3FB1]  }
0x2d: {  	s3 =	simm.s32 $0x108;
	s8 =	sld [smem:$0x3FB2]  }
0x2e: {  	s3 =	simm.s32 @!p0 $0x1082;
	s9 =	sld [smem:$0x3FB3]  }
0x2f: {  	lr =	sadd.s32 s0, s3;
	s0 =	sld [smem:$0x3FAA]  }
0x30: {  	s3 =	sld [smem:$0x3FAD]  }
0x31: {  	[smem:$0x3FB6] =	sst s10  }
0x32: {  	s10 =	sld [smem:$0x3FB4];
	_ =	sdelay $0x3  }
0x33: {  	p0 =	seq.s32 s10, $0x1;
	s10 =	sld [smem:$0x3FB6];
	_ =	sdelay $0x3  }
0x34: {  	[smem:$0x3FB6] =	sst s10  }
0x35: {  	s10 =	sld [smem:$0x3FB5];
	_ =	sdelay $0x3  }
0x36: {  	p1 =	seq.s32 s10, $0x1;
	s10 =	sld [smem:$0x3FB6];
	_ =	sdelay $0x3  }
0x37: {  	[smem:$0x3FB6] =	sst s10  }
0x38: {  	s10 =	sld [smem:$0x3FB7]  }
0x39: {  	_ = 	snop;
	(pc) =	sbr.ind lr, $3  }
0x3a: {  	_ = 	snop  }
0x3b: {  	_ = 	snop  }
0x3c: {  	p2 =	seq.s32 s10, $0x1;
	s10 =	sld [smem:$0x3FB6]  }
0x3d: {  	_ =	shalt  }
0x3e: {  	_ =	shalt  }
0x3f: {  	_ =	shalt  }
0x40: {  	_ =	shalt  }
0x41: {  	_ =	shalt  }
0x42: {  	_ =	shalt  }
0x43: {  	_ =	shalt  }
0x44: {  	_ =	shalt  }
0x45: {  	_ =	shalt  }
0x46: {  	_ =	shalt  }
0x47: {  	_ =	shalt  }
0x48: {  	_ =	shalt  }
0x49: {  	_ =	shalt  }
0x4a: {  	_ =	shalt  }
0x4b: {  	_ =	shalt  }
0x4c: {  	_ =	shalt  }
0x4d: {  	_ =	shalt  }
0x4e: {  	_ =	shalt  }
0x4f: {  	_ =	shalt  }
0x50: {  	_ =	shalt  }
0x51: {  	_ =	shalt  }
0x52: {  	_ =	shalt  }
0x53: {  	_ =	shalt  }
0x54: {  	_ =	shalt  }
0x55: {  	_ =	shalt  }
0x56: {  	_ =	shalt  }
0x57: {  	_ =	shalt  }
0x58: {  	_ =	shalt  }
0x59: {  	_ =	shalt  }
0x5a: {  	_ =	shalt  }
0x5b: {  	_ =	shalt  }
0x5c: {  	_ =	shalt  }
0x5d: {  	_ =	shalt  }
0x5e: {  	_ =	shalt  }
0x5f: {  	_ =	shalt  }
0x60: {  	_ =	shalt  }
0x61: {  	_ =	shalt  }
0x62: {  	_ =	shalt  }
0x63: {  	_ =	shalt  }
0x64: {  	_ =	shalt  }
0x65: {  	_ =	shalt  }
0x66: {  	_ =	shalt  }
0x67: {  	_ =	shalt  }
0x68: {  	_ =	shalt  }
0x69: {  	_ =	shalt  }
0x6a: {  	_ =	shalt  }
0x6b: {  	_ =	shalt  }
0x6c: {  	_ =	shalt  }
0x6d: {  	_ =	shalt  }
0x6e: {  	_ =	shalt  }
0x6f: {  	_ =	shalt  }
0x70: {  	_ =	shalt  }
0x71: {  	_ =	shalt  }
0x72: {  	_ =	shalt  }
0x73: {  	_ =	shalt  }
0x74: {  	_ =	shalt  }
0x75: {  	_ =	shalt  }
0x76: {  	_ =	shalt  }
0x77: {  	_ =	shalt  }
0x78: {  	_ =	shalt  }
0x79: {  	_ =	shalt  }
0x7a: {  	_ =	shalt  }
0x7b: {  	_ =	shalt  }
0x7c: {  	_ =	shalt  }
0x7d: {  	_ =	shalt  }
0x7e: {  	_ =	shalt  }
0x7f: {  	_ =	shalt  }
0x80: {  	_ =	shalt  }
0x81: {  	_ =	shalt  }
0x82: {  	_ =	shalt  }
0x83: {  	_ =	shalt  }
0x84: {  	_ =	shalt  }
0x85: {  	_ =	shalt  }
0x86: {  	_ =	shalt  }
0x87: {  	_ =	shalt  }
.Lfunc_end0:
.L_simem_size_0:
called_computation.1_lowered:
.L_overlay_start_0:
0x88: {  	s2 =	sld [smem:$0x3FD9]  }
0x89: {  	s3 =	sld [smem:$0x3FFE];
	_ =	sdelay $0x1  }
0x8a: {  	s1 =	srdreg.scid  }
0x8b: {  	s0 =	sand.u32 $0x1, s1  }
0x8c: {  	s16 =	sshll.u32 s0, $0xA;
	s2 =	sadd.s32 s3, s2  }
0x8d: {  	s2 =	sadd.s32 s2, s16  }
0x8e: {  	[smem:$0x3FC2] =	sst s2  }
0x8f: {  	_ = 	snop  }
0x90: {  	(tm) =	ssettm $0x1  }
0x91: {  	s17 =	sld [smem:$0x3FFB];
	_ =	sdelay $0x3  }
0x92: {  	_ =	strace s17  }
0x93: {  	s2 =	sld [smem:$0x3FFC];
	_ =	sdelay $0x3  }
0x94: {  	_ =	strace s2  }
0x95: {  	s2 =	sld [smem:$0x3FFD];
	_ =	sdelay $0x3  }
0x96: {  	_ =	strace s2  }
0x97: {  	_ =	strace $0x8FFFFFFF  }
0x98: {  	s18 =	sld [smem:$0x3FDB];
	_ =	sdelay $0x1  }
0x99: {  	s19 =	simm.s32 $_scs_section_size  }
0x9a: {  	s4 =	simm.s32 $_size__tile_overlayer_lowered;
	s5 =	simm.s32 $_tile_overlayer_lowered  }
0x9b: {  	s22 =	simm.s32 $0x1BFF;
	s21 =	sshll.u32 s5, $0x1;
	s2 =	sadd.s32 s19, s18  }
0x9c: {  	s6 =	simm.s32 $0x0;
	s20 =	sshll.u32 s4, $0x1;
	s4 =	sadd.s32 s21, s2  }
0x9d: {  	[timem:s6], [sflag:s22] =	dma.local [hbm:s4], s20  }
0x9e: {  	_ =	swait.ge [sflag:s22], s20  }
0x9f: {  	s3 =	ssub.s32 $0x0, s20;
	[sflag:s22] =	ssyncset.done $0x0  }
0xa0: {  	[sflag:s22] =	ssyncadd.s32 s3;
	_ =	sdelay $0x1  }
0xa1: {  	s23 =	simm.s32 $0x1B8B  }
0xa2: {  	_ =	swait.ge [sflag:s23], $0x1  }
0xa3: {  	[sflag:s23] =	ssyncset.done $0x0  }
0xa4: {  	s25 =	simm.s32 $0x1B8E;
	s24 =	sld [smem:$0x3FFE];
	[sflag:s23] =	ssyncadd.s32 $0xFFFFFFFF  }
0xa5: {  	s26 =	simm.s32 $execute0_lowered;
	[smem:$0x3FD2] =	sst s25  }
0xa6: {  	s4 =	sshll.u32 s26, $0x1;
	_ =	strace $0x80000049;
	[dreg:$0x1] =	wrdreg $0xFFFFFFFF  }
0xa7: {  	s28 =	simm.s32 $_size_execute0_lowered;
	s2 =	sadd.s32 s2, s4;
	[dreg:$0x0] =	wrdreg $0x0  }
0xa8: {  	s4 =	sshll.u32 s28, $0x1;
	[dreg:$0x2] =	wrdreg s2  }
0xa9: {  	[dreg:$0x3] =	wrdreg s4  }
0xaa: {  	[dreg:$0x4] =	wrdreg $0xC0  }
0xab: {  	_ =	task [dreg:s6], $0x5FFFF  }
0xac: {  	[dreg:$0x1] =	wrdreg $0xFFFFFFFF  }
0xad: {  	[dreg:$0x0] =	wrdreg $0x60  }
0xae: {  	[dreg:$0x2] =	wrdreg s24  }
0xaf: {  	[dreg:$0x3] =	wrdreg $0x140000  }
0xb0: {  	[dreg:$0x4] =	wrdreg $0x9  }
0xb1: {  	_ =	task.clear_ibuf [dreg:s6], $0x5FFFF;
	_ =	strace $0x90000049  }
0xb2: {  	s29 =	simm.s32 $0x9;
	_ =	strace $0x8000004B  }
0xb3: {  	_ =	swait.ge [sflag:s29], $0x1  }
0xb4: {  	[sflag:s29] =	ssyncadd.s32 $0xFFFFFFFF  }
0xb5: {  	_ =	strace $0x9000004B  }
0xb6: {  	_ =	sfence  }
0xb7: {  	s30 =	sld [smem:$0x0];
	_ =	sdelay $0x2  }
0xb8: {  	s31 =	sshll.u32 s1, $0xD;
	s1 =	sshrl.u32 s1, $0x2  }
0xb9: {  	s3 =	sand.u32 $0x4000, s31;
	s1 =	sadd.s32 s1, s30  }
0xba: {  	s0 =	sor.u32 s3, s0;
	s1 =	sshll.u32 s1, $0x11  }
0xbb: {  	s0 =	sor.u32 s1, s0  }
0xbc: {  	s0 =	sadd.s32 $0x8F2B, s0  }
0xbd: {  	[sflag:s0] =	ssyncadd.remote.s32 $0x1  }
0xbe: {  	_ =	sfence.sel $0xFFFF  }
0xbf: {  	[dreg:$0x0] =	wrdreg $0xFFFFFFFF;
	(pc) =	sbr.abs _section_cstart, $3  }
0xc0: {  	[dreg:$0x1] =	wrdreg $0xFFFFFFFF  }
0xc1: {  	_ =	task.clear_ibuf [dreg:s6], $0x2FFFF;
	_ =	strace $0x9FFFFFFF  }
0xc2: {  	(tm) =	ssettm $0x7FFFFFFF  }
0xc3: {  	_ =	shalt  }
tec
execute0_lowered:
.L_overlay_start_1:
0x0: {  	(tag) =	ssettag $0x1  }
0x1: {  	s1 =	rddreg [dreg:$0x0]  }
0x2: {  	s0 =	srdreg.scid;
	s2 =	rddreg [dreg:$0x1];
	s3 =	simm.s32 $0x0  }
0x3: {  	s6 =	stileid.u32;
	s14 =	simm.s32 $0x3;
	s15 =	simm.s32 $0x5000  }
0x4: {  	s16 =	simm.s32 $0x12000;
	s17 =	simm.s32 $0x80;
	s18 =	simm.s32 $0xA000  }
0x5: {  	s19 =	simm.s32 $0xC000;
	s20 =	simm.s32 $0x1;
	s9 =	smul.u32 $0xA000, s6  }
0x6: {  	s22 =	simm.s32 $0xE000;
	s29 =	simm.s32 $0x2;
	s26 =	smul.u32 $0xA00, s6  }
0x7: {  	s30 =	simm.s32 $0x200;
	s0 =	sand.u32 $0x1, s0;
	s6 =	smul.u32 $0x28000, s6  }
0x8: {  	[smem:$0x7FF] =	sst s3;
	s4 =	smul.u32 $0xA0000, s0;
	s0 =	ssub.s32 $0x2, s0  }
0x9: {  	s31 =	simm.s32 $0x5180;
	_ =	strace $0x8000004A;
	s8 =	sshrl.u32 s0, $0x1  }
0xa: {  	s6 =	sshrl.u32 s6, $0x2;
	s28 =	sadd.s32 s9, s2;
	s5 =	sshrl.u32 s4, $0x3  }
0xb: {  	s4 =	sadd.s32 s9, s4;
	s0 =	ssub.s32 s0, s8;
	s6 =	sadd.s32 s6, s2  }
0xc: {  	s25 =	sshrl.u32 s28, $0x3;
	s7 =	sadd.s32 s5, s1;
	s5 =	sadd.s32 s26, s1  }
.Ltmp0:
0xd: {  	s4 =	sshrl.u32 s4, $0x3;
	s9 =	smax.u32 s0, $0x1;
	(pc) =	sbr.rel .LBB2_1-.Ltmp0, $4  }
0xe: {  	s10 =	sadd.s32 $0x2000, s6;
	s11 =	sadd.s32 $0x4000, s6;
	s12 =	sadd.s32 $0x6000, s6  }
0xf: {  	s13 =	sadd.s32 $0x8000, s6;
	s26 =	simm.s32 $0x10000;
	s0 =	simm.s32 $0x280  }
0x10: {  	s1 =	sadd.s32 s4, s1;
	s4 =	sadd.s32 $0xC000, s5;
	s5 =	sadd.s32 $0x2000, s5  }
0x11: {  	v0 =	vimm.f32 $0.0e+00;
	s7 =	sadd.s32 $0x66000, s7;
	s8 =	sadd.s32 $0x16000, s1;
	s1 =	simm.s32 $0x0  }
.LBB2_6:
0x12: {  	_ =	swait.ge [sflag:s20], $0x2000  }
0x13: {  	[sflag:s20] =	ssyncset.done $0x0  }
0x14: {  	[sflag:s20] =	ssyncadd.s32 $0xFFFFE000  }
0x15: {  	[spmem:s2] =	stream.indirect.scatter.add.f32 [tilespmem:s26], [sflag:$0x2], $0x40, s24, s17, $0xb8;
	[tilespmem:$0x1E000] =	vst v63  }
0x16: {  	_ =	swait.ge [sflag:s29], $0x2000  }
0x17: {  	[sflag:s29] =	ssyncset.done $0x0  }
0x18: {  	[sflag:s29] =	ssyncadd.s32 $0xFFFFE000  }
0x19: {  	_ =	swait.ge [sflag:s29], $0x2000  }
0x1a: {  	[sflag:s29] =	ssyncset.done $0x0  }
0x1b: {  	[sflag:s29] =	ssyncadd.s32 $0xFFFFE000  }
0x1c: {  	_ =	swait.ge [sflag:s29], $0x2000  }
0x1d: {  	s21 =	stileid.u32;
	s1 =	sadd.s32 $0x1, s1;
	[sflag:s29] =	ssyncset.done $0x0  }
0x1e: {  	s21 =	sshll.u32 s21, $0x6;
	p0 =	sne.s32 s1, s9;
	[sflag:s29] =	ssyncadd.s32 $0xFFFFE000  }
.Ltmp1:
0x1f: {  	s21 =	sor.u32 $0x1C03, s21;
	[bflag:$0x0] =	sbarrier.arrive $0xFFFF;
	(pc) =	sbr.rel @!p0 .LBB2_7-.Ltmp1, $4  }
0x20: {  	[hbm:s8], [sflag:s21] =	dma.local [spmem:s25], $0x1400  }
0x21: {  	_ =	swait.ge [sflag:s14], $0x1400  }
0x22: {  	[sflag:s14] =	ssyncset.done $0x0  }
0x23: {  	[sflag:s14] =	ssyncadd.s32 $0xFFFFEC00  }
.LBB2_1:
0x24: {  	[tilespmem:s3], [sflag:$0x3] =	stream.linear.gather [hbm4b:s4+s3], $0x5000, $0x38;
	[tilespmem:$0x1E000] =	vst v63  }
0x25: {  	_ =	swait.ge [sflag:s14], $0x5000  }
0x26: {  	[sflag:s14] =	ssyncset.done $0x0  }
0x27: {  	[sflag:s14] =	ssyncadd.s32 $0xFFFFB000  }
0x28: {  	[tilespmem:s15], [sflag:$0x3] =	stream.linear.gather [hbm4b:s5+s3], $0x5000, $0x38;
	[tilespmem:$0x1E000] =	vst v63  }
0x29: {  	_ =	swait.ge [sflag:s14], $0x5000  }
0x2a: {  	[sflag:s14] =	ssyncset.done $0x0  }
0x2b: {  	s23 =	simm.s32 $0x100;
	s21 =	simm.s32 $0x0;
	[sflag:s14] =	ssyncadd.s32 $0xFFFFB000  }
.LBB2_2:
0x2c: {  	p0 =	sne.s32 s23, $0x7F00;
	[tilespmem:s21+$0x12030] =	vst v0;
	s24 =	smov.u32 s23;
	s23 =	sadd.s32 $0x100, s23  }
.Ltmp2:
0x2d: {  	[tilespmem:s21+$0x12020] =	vst v0;
	(pc) =	sbr.rel @p0 .LBB2_2-.Ltmp2, $3  }
0x2e: {  	[tilespmem:s21+$0x12000] =	vst v0  }
0x2f: {  	[tilespmem:s21+$0x12010] =	vst v0;
	_ =	sdelay $0x1  }
0x30: {  	s21 =	sshra.s32 s24, $0x2  }
0x31: {  	[tilespmem:s21+$0x12030] =	vst v0  }
0x32: {  	[tilespmem:s21+$0x12020] =	vst v0  }
0x33: {  	[tilespmem:s21+$0x12000] =	vst v0  }
0x34: {  	[tilespmem:s21+$0x12010] =	vst v0  }
0x35: {  	[spmem:s6] =	stream.linear.scatter [tilespmem:s16], [sflag:$0x3], $0x2000, $0x38;
	[tilespmem:$0x1E000] =	vst v63  }
0x36: {  	_ =	swait.ge [sflag:s14], $0x2000  }
0x37: {  	[sflag:s14] =	ssyncset.done $0x0  }
0x38: {  	[sflag:s14] =	ssyncadd.s32 $0xFFFFE000  }
0x39: {  	[spmem:s10] =	stream.linear.scatter [tilespmem:s16], [sflag:$0x3], $0x2000, $0x38;
	[tilespmem:$0x1E000] =	vst v63  }
0x3a: {  	_ =	swait.ge [sflag:s14], $0x2000  }
0x3b: {  	[sflag:s14] =	ssyncset.done $0x0  }
0x3c: {  	[sflag:s14] =	ssyncadd.s32 $0xFFFFE000  }
0x3d: {  	[spmem:s11] =	stream.linear.scatter [tilespmem:s16], [sflag:$0x3], $0x2000, $0x38;
	[tilespmem:$0x1E000] =	vst v63  }
0x3e: {  	_ =	swait.ge [sflag:s14], $0x2000  }
0x3f: {  	[sflag:s14] =	ssyncset.done $0x0  }
0x40: {  	[sflag:s14] =	ssyncadd.s32 $0xFFFFE000  }
0x41: {  	[spmem:s12] =	stream.linear.scatter [tilespmem:s16], [sflag:$0x3], $0x2000, $0x38;
	[tilespmem:$0x1E000] =	vst v63  }
0x42: {  	_ =	swait.ge [sflag:s14], $0x2000  }
0x43: {  	[sflag:s14] =	ssyncset.done $0x0  }
0x44: {  	[sflag:s14] =	ssyncadd.s32 $0xFFFFE000  }
0x45: {  	[spmem:s13] =	stream.linear.scatter [tilespmem:s16], [sflag:$0x3], $0x2000, $0x38;
	[tilespmem:$0x1E000] =	vst v63  }
0x46: {  	_ =	swait.ge [sflag:s14], $0x2000  }
0x47: {  	[sflag:s14] =	ssyncset.done $0x0  }
0x48: {  	[sflag:s14] =	ssyncadd.s32 $0xFFFFE000  }
0x49: {  	s21 =	simm.s32 $0x0;
	[bflag:$0x0] =	sbarrier.arrive $0xFFFF  }
0x4a: {  	[tilespmem:s18], [sflag:$0x1] =	stream.indirect.gather [hbm4b:s7+s17], $0x40, s21, s17, $0xb8;
	[tilespmem:$0x1E000] =	vst v63  }
0x4b: {  	_ = 	snop  }
0x4c: {  	[tilespmem:s19], [sflag:$0x1] =	stream.indirect.gather [hbm4b:s7+s17], $0x40, s17, s17, $0xb8;
	[tilespmem:$0x1E000] =	vst v63  }
0x4d: {  	_ =	swait.ge [sflag:s20], $0x2000  }
0x4e: {  	[sflag:s20] =	ssyncset.done $0x0  }
0x4f: {  	[sflag:s20] =	ssyncadd.s32 $0xFFFFE000  }
0x50: {  	[spmem:s2] =	stream.indirect.scatter.add.f32 [tilespmem:s18], [sflag:$0x2], $0x40, s15, s17, $0xb8;
	[tilespmem:$0x1E000] =	vst v63  }
0x51: {  	s23 =	simm.s32 $0x100  }
0x52: {  	[tilespmem:s22], [sflag:$0x1] =	stream.indirect.gather [hbm4b:s7+s17], $0x40, s23, s17, $0xb8;
	[tilespmem:$0x1E000] =	vst v63  }
0x53: {  	_ =	swait.ge [sflag:s20], $0x2000  }
0x54: {  	[sflag:s20] =	ssyncset.done $0x0  }
0x55: {  	s28 =	simm.s32 $0x5080;
	[sflag:s20] =	ssyncadd.s32 $0xFFFFE000  }
0x56: {  	[spmem:s2] =	stream.indirect.scatter.add.f32 [tilespmem:s19], [sflag:$0x2], $0x40, s28, s17, $0xb8;
	[tilespmem:$0x1E000] =	vst v63  }
0x57: {  	s24 =	simm.s32 $0x180  }
0x58: {  	[tilespmem:s26], [sflag:$0x1] =	stream.indirect.gather [hbm4b:s7+s17], $0x40, s24, s17, $0xb8;
	[tilespmem:$0x1E000] =	vst v63  }
0x59: {  	_ =	swait.ge [sflag:s20], $0x2000  }
0x5a: {  	[sflag:s20] =	ssyncset.done $0x0  }
0x5b: {  	s28 =	simm.s32 $0x5100;
	[sflag:s20] =	ssyncadd.s32 $0xFFFFE000  }
0x5c: {  	[spmem:s2] =	stream.indirect.scatter.add.f32 [tilespmem:s22], [sflag:$0x2], $0x40, s28, s17, $0xb8;
	[tilespmem:$0x1E000] =	vst v63  }
0x5d: {  	_ =	swait.ge [sflag:s29], $0x2000  }
0x5e: {  	[sflag:s29] =	ssyncset.done $0x0  }
0x5f: {  	[sflag:s29] =	ssyncadd.s32 $0xFFFFE000  }
0x60: {  	[tilespmem:s18], [sflag:$0x1] =	stream.indirect.gather [hbm4b:s7+s17], $0x40, s30, s17, $0xb8;
	[tilespmem:$0x1E000] =	vst v63  }
0x61: {  	_ =	swait.ge [sflag:s20], $0x2000  }
0x62: {  	[sflag:s20] =	ssyncset.done $0x0  }
0x63: {  	[sflag:s20] =	ssyncadd.s32 $0xFFFFE000  }
0x64: {  	[spmem:s2] =	stream.indirect.scatter.add.f32 [tilespmem:s26], [sflag:$0x2], $0x40, s31, s17, $0xb8;
	[tilespmem:$0x1E000] =	vst v63  }
0x65: {  	_ =	swait.ge [sflag:s29], $0x2000  }
0x66: {  	[sflag:s29] =	ssyncset.done $0x0  }
0x67: {  	[sflag:s29] =	ssyncadd.s32 $0xFFFFE000  }
0x68: {  	[tilespmem:s19], [sflag:$0x1] =	stream.indirect.gather [hbm4b:s7+s17], $0x40, s0, s17, $0xb8;
	[tilespmem:$0x1E000] =	vst v63  }
.LBB2_4:
0x69: {  	_ =	swait.ge [sflag:s20], $0x2000  }
0x6a: {  	s23 =	sshra.s32 s21, $0x2;
	[sflag:s20] =	ssyncset.done $0x0  }
0x6b: {  	s24 =	sadd.s32 $0x5200, s23;
	[sflag:s20] =	ssyncadd.s32 $0xFFFFE000  }
0x6c: {  	[spmem:s2] =	stream.indirect.scatter.add.f32 [tilespmem:s18], [sflag:$0x2], $0x40, s24, s17, $0xb8;
	[tilespmem:$0x1E000] =	vst v63  }
0x6d: {  	_ =	swait.ge [sflag:s29], $0x2000  }
0x6e: {  	[sflag:s29] =	ssyncset.done $0x0  }
0x6f: {  	s28 =	sadd.s32 $0x300, s23;
	[sflag:s29] =	ssyncadd.s32 $0xFFFFE000  }
0x70: {  	[tilespmem:s22], [sflag:$0x1] =	stream.indirect.gather [hbm4b:s7+s17], $0x40, s28, s17, $0xb8;
	[tilespmem:$0x1E000] =	vst v63  }
0x71: {  	_ =	swait.ge [sflag:s20], $0x2000  }
0x72: {  	[sflag:s20] =	ssyncset.done $0x0  }
0x73: {  	s28 =	sadd.s32 $0x5280, s23;
	[sflag:s20] =	ssyncadd.s32 $0xFFFFE000  }
0x74: {  	[spmem:s2] =	stream.indirect.scatter.add.f32 [tilespmem:s19], [sflag:$0x2], $0x40, s28, s17, $0xb8;
	[tilespmem:$0x1E000] =	vst v63  }
0x75: {  	_ =	swait.ge [sflag:s29], $0x2000  }
0x76: {  	[sflag:s29] =	ssyncset.done $0x0  }
0x77: {  	s28 =	sadd.s32 $0x380, s23;
	[sflag:s29] =	ssyncadd.s32 $0xFFFFE000  }
0x78: {  	[tilespmem:s26], [sflag:$0x1] =	stream.indirect.gather [hbm4b:s7+s17], $0x40, s28, s17, $0xb8;
	[tilespmem:$0x1E000] =	vst v63  }
0x79: {  	_ =	swait.ge [sflag:s20], $0x2000  }
0x7a: {  	p0 =	seq.s32 s21, $0x13000;
	[sflag:s20] =	ssyncset.done $0x0  }
.Ltmp3:
0x7b: {  	s28 =	sadd.s32 $0x5300, s23;
	[sflag:s20] =	ssyncadd.s32 $0xFFFFE000;
	(pc) =	sbr.rel @p0 .LBB2_6-.Ltmp3, $4  }
0x7c: {  	[spmem:s2] =	stream.indirect.scatter.add.f32 [tilespmem:s22], [sflag:$0x2], $0x40, s28, s17, $0xb8;
	[tilespmem:$0x1E000] =	vst v63  }
0x7d: {  	_ =	swait.ge [sflag:s29], $0x2000  }
0x7e: {  	[sflag:s29] =	ssyncset.done $0x0  }
0x7f: {  	s24 =	sadd.s32 $0x5380, s23;
	[sflag:s29] =	ssyncadd.s32 $0xFFFFE000  }
0x80: {  	s28 =	sadd.s32 $0x400, s23  }
0x81: {  	[tilespmem:s18], [sflag:$0x1] =	stream.indirect.gather [hbm4b:s7+s17], $0x40, s28, s17, $0xb8;
	[tilespmem:$0x1E000] =	vst v63  }
0x82: {  	_ =	swait.ge [sflag:s20], $0x2000  }
0x83: {  	[sflag:s20] =	ssyncset.done $0x0  }
0x84: {  	[sflag:s20] =	ssyncadd.s32 $0xFFFFE000  }
0x85: {  	[spmem:s2] =	stream.indirect.scatter.add.f32 [tilespmem:s26], [sflag:$0x2], $0x40, s24, s17, $0xb8;
	[tilespmem:$0x1E000] =	vst v63  }
.Ltmp4:
0x86: {  	_ = 	snop;
	(pc) =	sbr.rel .LBB2_4-.Ltmp4, $4  }
0x87: {  	_ =	swait.ge [sflag:s29], $0x2000  }
0x88: {  	[sflag:s29] =	ssyncset.done $0x0  }
0x89: {  	s21 =	sadd.s32 $0x800, s21;
	s28 =	sadd.s32 $0x480, s23;
	[sflag:s29] =	ssyncadd.s32 $0xFFFFE000  }
0x8a: {  	[tilespmem:s19], [sflag:$0x1] =	stream.indirect.gather [hbm4b:s7+s17], $0x40, s28, s17, $0xb8;
	[tilespmem:$0x1E000] =	vst v63  }
.LBB2_7:
0x8b: {  	_ =	sfence.sel $0x180000  }
0x8c: {  	[bflag:$0x0] =	sbarrier.arrive $0xFFFF  }
0x8d: {  	_ =	strace $0x9000004A  }
0x8e: {  	s0 =	stileid.u32;
	[bflag:$0x2] =	sbarrier.arrive $0xFFFF  }
0x8f: {  	p0 =	sne.s32 s0, $0x0;
	s0 =	rddreg [dreg:$0x2]  }
0x90: {  	s0 =	sadd.s32 @!p0 $0x100000, s0  }
0x91: {  	[sflag:s0] =	ssyncadd.tile.s32 @!p0 $0x1;
	_ =	shalt  }
.Lfunc_end2:
_tile_overlayer_lowered:
.L_overlay_start_2:
0x92: {  	(tag) =	ssettag $0x2  }
0x93: {  	s0 =	rddreg [dreg:$0x0];
	s2 =	stileid.u32  }
0x94: {  	s1 =	rddreg [dreg:$0x1];
	p0 =	sne.s32 s2, $0x0  }
0x95: {  	s3 =	rddreg [dreg:$0x2];
	[bflag:$0x3] =	sbarrier.arrive $0xFFFF;
	s2 =	simm.s32 @!p0 $0x1C03  }
0x96: {  	[timem:s3], [sflag:s2] =	dma.local @!p0 [hbm:s0], s1  }
0x97: {  	s0 =	simm.s32 @!p0 $0x3  }
0x98: {  	_ =	swait.ge @!p0 [sflag:s0], s1  }
0x99: {  	s1 =	ssub.s32 @!p0 $0x0, s1;
	[sflag:s0] =	ssyncset.done @!p0 $0x0  }
0x9a: {  	[sflag:s0] =	ssyncadd.s32 @!p0 s1  }
0x9b: {  	[bflag:$0x3] =	sbarrier.arrive $0xFFFF  }
0x9c: {  	_ =	shalt  }

// kernel: kernel.14.cloned.1.call-start
scs
__scs_entry_jumppad:
0x0: {  	(pc) =	sbr.rel $0x88, $3  }
0x1: {  	(tag) =	ssettag $0x0;
	lr =	simm.s32 $0x1  }
0x2: {  	[smem:$0x3F9B] =	sst lr;
	_ =	strace $0xD0000000  }
0x3: {  	_ = 	snop  }
0x4: {  	_ = 	snop  }
0x5: {  	_ = 	snop  }
0x6: {  	_ = 	snop  }
0x7: {  	_ = 	snop  }
__scs_overlays_trampoline_lowered:
0x8: {  	[smem:$0x3FAA] =	sst s0  }
0x9: {  	[smem:$0x3FAB] =	sst s1  }
0xa: {  	[smem:$0x3FAC] =	sst s2  }
0xb: {  	[smem:$0x3FAD] =	sst s3  }
0xc: {  	[smem:$0x3FAE] =	sst s4  }
0xd: {  	[smem:$0x3FAF] =	sst s5  }
0xe: {  	[smem:$0x3FB0] =	sst s6  }
0xf: {  	[smem:$0x3FB1] =	sst s7  }
0x10: {  	[smem:$0x3FB2] =	sst s8  }
0x11: {  	[smem:$0x3FB3] =	sst s9;
	s0 =	simm.s32 @!p0 $0x0  }
0x12: {  	s1 =	sld [smem:$0x3F99];
	s0 =	simm.s32 @p0 $0x1  }
0x13: {  	[smem:$0x3FB4] =	sst s0;
	s0 =	simm.s32 @!p1 $0x0  }
0x14: {  	s2 =	sld [smem:$0x3F98];
	s0 =	simm.s32 @p1 $0x1  }
0x15: {  	[smem:$0x3FB5] =	sst s0;
	s0 =	simm.s32 @!p2 $0x0  }
0x16: {  	s3 =	sld [smem:$0x3FDB];
	s0 =	simm.s32 @p2 $0x1  }
0x17: {  	s4 =	simm.s32 $0x1BF5;
	[smem:$0x3FB7] =	sst s0  }
0x18: {  	s0 =	sld [smem:$0x3F9A];
	_ =	swait.ge [sflag:s4], $0x0  }
0x19: {  	s7 =	sld [smem:$0x3F9B]  }
0x1a: {  	s8 =	sadd.s32 $0xFFFFE003, lr  }
0x1b: {  	s9 =	sadd.s32 $0xFFFFFEF7, lr;
	s5 =	simm.s32 $0xFFFFFFFF;
	p2 =	slt.u32 s8, $0xFFFFF086  }
0x1c: {  	p1 =	slt.u32 s9, $0xF7A;
	s5 =	simm.s32 @!p2 $0x0  }
0x1d: {  	s5 =	simm.s32 @p1 $0x1;
	p0 =	seq.s32 s7, s2  }
0x1e: {  	s7 =	smul.u32 @!p0 $0xF7A, s2;
	p2 =	seq.s32 @!p0 s5, $0x0  }
0x1f: {  	s9 =	smul.u32 $0xF7A, s1;
	s8 =	simm.s32 @!p0 $0x1BF5;
	p2 =	por !p2, p0  }
0x20: {  	[sflag:s8] =	ssyncset.s32 @!p0 $0xFFFFF086;
	s6 =	sadd.s32 @!p0 s3, s7;
	s7 =	simm.s32 @!p0 $0x108  }
0x21: {  	s3 =	sadd.s32 s3, s9;
	s6 =	sadd.s32 @!p0 $0x88, s6;
	s7 =	simm.s32 @p2 $0x1082  }
0x22: {  	[simem:s7], [sflag:s8] =	dma.local @!p0 [hbm:s6], $0xF7A  }
0x23: {  	s9 =	sor.u32 $0xD0000000, s2;
	s6 =	simm.s32 $0x108;
	_ =	swait.ge @!p0 [sflag:s8], $0x0  }
0x24: {  	s3 =	sadd.s32 $0x88, s3;
	s6 =	simm.s32 @!p1 $0x1082;
	[sflag:s4] =	ssyncset.s32 $0xFFFFF086  }
0x25: {  	[simem:s6], [sflag:s4] =	dma.local [hbm:s3], $0xF7A  }
0x26: {  	[smem:$0x3F9B] =	sst s1;
	(tag) =	ssettag s2;
	_ =	strace s9  }
0x27: {  	s1 =	sld [smem:$0x3FAB]  }
0x28: {  	s2 =	sld [smem:$0x3FAC]  }
0x29: {  	s4 =	sld [smem:$0x3FAE]  }
0x2a: {  	p0 =	seq.s32 s5, $0x0;
	s5 =	sld [smem:$0x3FAF]  }
0x2b: {  	s6 =	sld [smem:$0x3FB0]  }
0x2c: {  	s7 =	sld [smem:$0x3FB1]  }
0x2d: {  	s3 =	simm.s32 $0x108;
	s8 =	sld [smem:$0x3FB2]  }
0x2e: {  	s3 =	simm.s32 @!p0 $0x1082;
	s9 =	sld [smem:$0x3FB3]  }
0x2f: {  	lr =	sadd.s32 s0, s3;
	s0 =	sld [smem:$0x3FAA]  }
0x30: {  	s3 =	sld [smem:$0x3FAD]  }
0x31: {  	[smem:$0x3FB6] =	sst s10  }
0x32: {  	s10 =	sld [smem:$0x3FB4];
	_ =	sdelay $0x3  }
0x33: {  	p0 =	seq.s32 s10, $0x1;
	s10 =	sld [smem:$0x3FB6];
	_ =	sdelay $0x3  }
0x34: {  	[smem:$0x3FB6] =	sst s10  }
0x35: {  	s10 =	sld [smem:$0x3FB5];
	_ =	sdelay $0x3  }
0x36: {  	p1 =	seq.s32 s10, $0x1;
	s10 =	sld [smem:$0x3FB6];
	_ =	sdelay $0x3  }
0x37: {  	[smem:$0x3FB6] =	sst s10  }
0x38: {  	s10 =	sld [smem:$0x3FB7]  }
0x39: {  	_ = 	snop;
	(pc) =	sbr.ind lr, $3  }
0x3a: {  	_ = 	snop  }
0x3b: {  	_ = 	snop  }
0x3c: {  	p2 =	seq.s32 s10, $0x1;
	s10 =	sld [smem:$0x3FB6]  }
0x3d: {  	_ =	shalt  }
0x3e: {  	_ =	shalt  }
0x3f: {  	_ =	shalt  }
0x40: {  	_ =	shalt  }
0x41: {  	_ =	shalt  }
0x42: {  	_ =	shalt  }
0x43: {  	_ =	shalt  }
0x44: {  	_ =	shalt  }
0x45: {  	_ =	shalt  }
0x46: {  	_ =	shalt  }
0x47: {  	_ =	shalt  }
0x48: {  	_ =	shalt  }
0x49: {  	_ =	shalt  }
0x4a: {  	_ =	shalt  }
0x4b: {  	_ =	shalt  }
0x4c: {  	_ =	shalt  }
0x4d: {  	_ =	shalt  }
0x4e: {  	_ =	shalt  }
0x4f: {  	_ =	shalt  }
0x50: {  	_ =	shalt  }
0x51: {  	_ =	shalt  }
0x52: {  	_ =	shalt  }
0x53: {  	_ =	shalt  }
0x54: {  	_ =	shalt  }
0x55: {  	_ =	shalt  }
0x56: {  	_ =	shalt  }
0x57: {  	_ =	shalt  }
0x58: {  	_ =	shalt  }
0x59: {  	_ =	shalt  }
0x5a: {  	_ =	shalt  }
0x5b: {  	_ =	shalt  }
0x5c: {  	_ =	shalt  }
0x5d: {  	_ =	shalt  }
0x5e: {  	_ =	shalt  }
0x5f: {  	_ =	shalt  }
0x60: {  	_ =	shalt  }
0x61: {  	_ =	shalt  }
0x62: {  	_ =	shalt  }
0x63: {  	_ =	shalt  }
0x64: {  	_ =	shalt  }
0x65: {  	_ =	shalt  }
0x66: {  	_ =	shalt  }
0x67: {  	_ =	shalt  }
0x68: {  	_ =	shalt  }
0x69: {  	_ =	shalt  }
0x6a: {  	_ =	shalt  }
0x6b: {  	_ =	shalt  }
0x6c: {  	_ =	shalt  }
0x6d: {  	_ =	shalt  }
0x6e: {  	_ =	shalt  }
0x6f: {  	_ =	shalt  }
0x70: {  	_ =	shalt  }
0x71: {  	_ =	shalt  }
0x72: {  	_ =	shalt  }
0x73: {  	_ =	shalt  }
0x74: {  	_ =	shalt  }
0x75: {  	_ =	shalt  }
0x76: {  	_ =	shalt  }
0x77: {  	_ =	shalt  }
0x78: {  	_ =	shalt  }
0x79: {  	_ =	shalt  }
0x7a: {  	_ =	shalt  }
0x7b: {  	_ =	shalt  }
0x7c: {  	_ =	shalt  }
0x7d: {  	_ =	shalt  }
0x7e: {  	_ =	shalt  }
0x7f: {  	_ =	shalt  }
0x80: {  	_ =	shalt  }
0x81: {  	_ =	shalt  }
0x82: {  	_ =	shalt  }
0x83: {  	_ =	shalt  }
0x84: {  	_ =	shalt  }
0x85: {  	_ =	shalt  }
0x86: {  	_ =	shalt  }
0x87: {  	_ =	shalt  }
.Lfunc_end0:
.L_simem_size_0:
called_computation.2_lowered:
.L_overlay_start_0:
0x88: {  	s2 =	sld [smem:$0x3FD9]  }
0x89: {  	s3 =	sld [smem:$0x3FFE];
	_ =	sdelay $0x1  }
0x8a: {  	s1 =	srdreg.scid  }
0x8b: {  	s0 =	sand.u32 $0x1, s1  }
0x8c: {  	s16 =	sshll.u32 s0, $0xA;
	s2 =	sadd.s32 s3, s2  }
0x8d: {  	s2 =	sadd.s32 s2, s16  }
0x8e: {  	[smem:$0x3FC2] =	sst s2  }
0x8f: {  	_ = 	snop  }
0x90: {  	(tm) =	ssettm $0x1  }
0x91: {  	s17 =	sld [smem:$0x3FFB];
	_ =	sdelay $0x3  }
0x92: {  	_ =	strace s17  }
0x93: {  	s2 =	sld [smem:$0x3FFC];
	_ =	sdelay $0x3  }
0x94: {  	_ =	strace s2  }
0x95: {  	s2 =	sld [smem:$0x3FFD];
	_ =	sdelay $0x3  }
0x96: {  	_ =	strace s2  }
0x97: {  	_ =	strace $0x8FFFFFFF  }
0x98: {  	s18 =	sld [smem:$0x3FDB];
	_ =	sdelay $0x1  }
0x99: {  	s19 =	simm.s32 $_scs_section_size  }
0x9a: {  	s4 =	simm.s32 $_size__tile_overlayer_lowered;
	s5 =	simm.s32 $_tile_overlayer_lowered  }
0x9b: {  	s22 =	simm.s32 $0x1BFF;
	s21 =	sshll.u32 s5, $0x1;
	s2 =	sadd.s32 s19, s18  }
0x9c: {  	s6 =	simm.s32 $0x0;
	s20 =	sshll.u32 s4, $0x1;
	s4 =	sadd.s32 s21, s2  }
0x9d: {  	[timem:s6], [sflag:s22] =	dma.local [hbm:s4], s20  }
0x9e: {  	_ =	swait.ge [sflag:s22], s20  }
0x9f: {  	s3 =	ssub.s32 $0x0, s20;
	[sflag:s22] =	ssyncset.done $0x0  }
0xa0: {  	[sflag:s22] =	ssyncadd.s32 s3;
	_ =	sdelay $0x1  }
0xa1: {  	s23 =	simm.s32 $0x1B8B  }
0xa2: {  	_ =	swait.ge [sflag:s23], $0x1  }
0xa3: {  	[sflag:s23] =	ssyncset.done $0x0  }
0xa4: {  	s25 =	simm.s32 $0x1B8E;
	s24 =	sld [smem:$0x3FFE];
	[sflag:s23] =	ssyncadd.s32 $0xFFFFFFFF  }
0xa5: {  	s26 =	simm.s32 $execute0_lowered;
	[smem:$0x3FD2] =	sst s25  }
0xa6: {  	s4 =	sshll.u32 s26, $0x1;
	_ =	strace $0x8000004C;
	[dreg:$0x1] =	wrdreg $0xFFFFFFFF  }
0xa7: {  	s28 =	simm.s32 $_size_execute0_lowered;
	s2 =	sadd.s32 s2, s4;
	[dreg:$0x0] =	wrdreg $0x0  }
0xa8: {  	s4 =	sshll.u32 s28, $0x1;
	[dreg:$0x2] =	wrdreg s2  }
0xa9: {  	[dreg:$0x3] =	wrdreg s4  }
0xaa: {  	[dreg:$0x4] =	wrdreg $0xC0  }
0xab: {  	_ =	task [dreg:s6], $0x5FFFF  }
0xac: {  	[dreg:$0x1] =	wrdreg $0xFFFFFFFF  }
0xad: {  	[dreg:$0x0] =	wrdreg $0x60  }
0xae: {  	[dreg:$0x2] =	wrdreg s24  }
0xaf: {  	[dreg:$0x3] =	wrdreg $0x140000  }
0xb0: {  	[dreg:$0x4] =	wrdreg $0x9  }
0xb1: {  	_ =	task.clear_ibuf [dreg:s6], $0x5FFFF;
	_ =	strace $0x9000004C  }
0xb2: {  	s29 =	simm.s32 $0x9;
	_ =	strace $0x8000004E  }
0xb3: {  	_ =	swait.ge [sflag:s29], $0x1  }
0xb4: {  	[sflag:s29] =	ssyncadd.s32 $0xFFFFFFFF  }
0xb5: {  	_ =	strace $0x9000004E  }
0xb6: {  	_ =	sfence  }
0xb7: {  	s30 =	sld [smem:$0x0];
	_ =	sdelay $0x2  }
0xb8: {  	s31 =	sshll.u32 s1, $0xD;
	s1 =	sshrl.u32 s1, $0x2  }
0xb9: {  	s3 =	sand.u32 $0x4000, s31;
	s1 =	sadd.s32 s1, s30  }
0xba: {  	s0 =	sor.u32 s3, s0;
	s1 =	sshll.u32 s1, $0x11  }
0xbb: {  	s0 =	sor.u32 s1, s0  }
0xbc: {  	s0 =	sadd.s32 $0x8F2B, s0  }
0xbd: {  	[sflag:s0] =	ssyncadd.remote.s32 $0x1  }
0xbe: {  	_ =	sfence.sel $0xFFFF  }
0xbf: {  	[dreg:$0x0] =	wrdreg $0xFFFFFFFF;
	(pc) =	sbr.abs _section_cstart, $3  }
0xc0: {  	[dreg:$0x1] =	wrdreg $0xFFFFFFFF  }
0xc1: {  	_ =	task.clear_ibuf [dreg:s6], $0x2FFFF;
	_ =	strace $0x9FFFFFFF  }
0xc2: {  	(tm) =	ssettm $0x7FFFFFFF  }
0xc3: {  	_ =	shalt  }
tec
execute0_lowered:
.L_overlay_start_1:
0x0: {  	(tag) =	ssettag $0x1  }
0x1: {  	s1 =	rddreg [dreg:$0x0]  }
0x2: {  	s0 =	srdreg.scid;
	s2 =	rddreg [dreg:$0x1];
	s3 =	simm.s32 $0x0  }
0x3: {  	s6 =	stileid.u32;
	s14 =	simm.s32 $0x3;
	s15 =	simm.s32 $0x5000  }
0x4: {  	s16 =	simm.s32 $0x12000;
	s17 =	simm.s32 $0x80;
	s18 =	simm.s32 $0xA000  }
0x5: {  	s19 =	simm.s32 $0xC000;
	s20 =	simm.s32 $0x1;
	s9 =	smul.u32 $0xA000, s6  }
0x6: {  	s22 =	simm.s32 $0xE000;
	s29 =	simm.s32 $0x2;
	s26 =	smul.u32 $0xA00, s6  }
0x7: {  	s30 =	simm.s32 $0x200;
	s0 =	sand.u32 $0x1, s0;
	s6 =	smul.u32 $0x28000, s6  }
0x8: {  	[smem:$0x7FF] =	sst s3;
	s4 =	smul.u32 $0xA0000, s0;
	s0 =	ssub.s32 $0x2, s0  }
0x9: {  	s31 =	simm.s32 $0x5180;
	_ =	strace $0x8000004D;
	s8 =	sshrl.u32 s0, $0x1  }
0xa: {  	s6 =	sshrl.u32 s6, $0x2;
	s28 =	sadd.s32 s9, s2;
	s5 =	sshrl.u32 s4, $0x3  }
0xb: {  	s4 =	sadd.s32 s9, s4;
	s0 =	ssub.s32 s0, s8;
	s6 =	sadd.s32 s6, s2  }
0xc: {  	s25 =	sshrl.u32 s28, $0x3;
	s7 =	sadd.s32 s5, s1;
	s5 =	sadd.s32 s26, s1  }
.Ltmp0:
0xd: {  	s4 =	sshrl.u32 s4, $0x3;
	s9 =	smax.u32 s0, $0x1;
	(pc) =	sbr.rel .LBB2_1-.Ltmp0, $4  }
0xe: {  	s10 =	sadd.s32 $0x2000, s6;
	s11 =	sadd.s32 $0x4000, s6;
	s12 =	sadd.s32 $0x6000, s6  }
0xf: {  	s13 =	sadd.s32 $0x8000, s6;
	s26 =	simm.s32 $0x10000;
	s0 =	simm.s32 $0x280  }
0x10: {  	s1 =	sadd.s32 s4, s1;
	s4 =	sadd.s32 $0xC000, s5;
	s5 =	sadd.s32 $0x2000, s5  }
0x11: {  	v0 =	vimm.f32 $0.0e+00;
	s7 =	sadd.s32 $0x16000, s7;
	s8 =	sadd.s32 $0x3E000, s1;
	s1 =	simm.s32 $0x0  }
.LBB2_6:
0x12: {  	_ =	swait.ge [sflag:s20], $0x2000  }
0x13: {  	[sflag:s20] =	ssyncset.done $0x0  }
0x14: {  	[sflag:s20] =	ssyncadd.s32 $0xFFFFE000  }
0x15: {  	[spmem:s2] =	stream.indirect.scatter.add.f32 [tilespmem:s26], [sflag:$0x2], $0x40, s24, s17, $0xb8;
	[tilespmem:$0x1E000] =	vst v63  }
0x16: {  	_ =	swait.ge [sflag:s29], $0x2000  }
0x17: {  	[sflag:s29] =	ssyncset.done $0x0  }
0x18: {  	[sflag:s29] =	ssyncadd.s32 $0xFFFFE000  }
0x19: {  	_ =	swait.ge [sflag:s29], $0x2000  }
0x1a: {  	[sflag:s29] =	ssyncset.done $0x0  }
0x1b: {  	[sflag:s29] =	ssyncadd.s32 $0xFFFFE000  }
0x1c: {  	_ =	swait.ge [sflag:s29], $0x2000  }
0x1d: {  	s21 =	stileid.u32;
	s1 =	sadd.s32 $0x1, s1;
	[sflag:s29] =	ssyncset.done $0x0  }
0x1e: {  	s21 =	sshll.u32 s21, $0x6;
	p0 =	sne.s32 s1, s9;
	[sflag:s29] =	ssyncadd.s32 $0xFFFFE000  }
.Ltmp1:
0x1f: {  	s21 =	sor.u32 $0x1C03, s21;
	[bflag:$0x0] =	sbarrier.arrive $0xFFFF;
	(pc) =	sbr.rel @!p0 .LBB2_7-.Ltmp1, $4  }
0x20: {  	[hbm:s8], [sflag:s21] =	dma.local [spmem:s25], $0x1400  }
0x21: {  	_ =	swait.ge [sflag:s14], $0x1400  }
0x22: {  	[sflag:s14] =	ssyncset.done $0x0  }
0x23: {  	[sflag:s14] =	ssyncadd.s32 $0xFFFFEC00  }
.LBB2_1:
0x24: {  	[tilespmem:s3], [sflag:$0x3] =	stream.linear.gather [hbm4b:s4+s3], $0x5000, $0x38;
	[tilespmem:$0x1E000] =	vst v63  }
0x25: {  	_ =	swait.ge [sflag:s14], $0x5000  }
0x26: {  	[sflag:s14] =	ssyncset.done $0x0  }
0x27: {  	[sflag:s14] =	ssyncadd.s32 $0xFFFFB000  }
0x28: {  	[tilespmem:s15], [sflag:$0x3] =	stream.linear.gather [hbm4b:s5+s3], $0x5000, $0x38;
	[tilespmem:$0x1E000] =	vst v63  }
0x29: {  	_ =	swait.ge [sflag:s14], $0x5000  }
0x2a: {  	[sflag:s14] =	ssyncset.done $0x0  }
0x2b: {  	s23 =	simm.s32 $0x100;
	s21 =	simm.s32 $0x0;
	[sflag:s14] =	ssyncadd.s32 $0xFFFFB000  }
.LBB2_2:
0x2c: {  	p0 =	sne.s32 s23, $0x7F00;
	[tilespmem:s21+$0x12030] =	vst v0;
	s24 =	smov.u32 s23;
	s23 =	sadd.s32 $0x100, s23  }
.Ltmp2:
0x2d: {  	[tilespmem:s21+$0x12020] =	vst v0;
	(pc) =	sbr.rel @p0 .LBB2_2-.Ltmp2, $3  }
0x2e: {  	[tilespmem:s21+$0x12000] =	vst v0  }
0x2f: {  	[tilespmem:s21+$0x12010] =	vst v0;
	_ =	sdelay $0x1  }
0x30: {  	s21 =	sshra.s32 s24, $0x2  }
0x31: {  	[tilespmem:s21+$0x12030] =	vst v0  }
0x32: {  	[tilespmem:s21+$0x12020] =	vst v0  }
0x33: {  	[tilespmem:s21+$0x12000] =	vst v0  }
0x34: {  	[tilespmem:s21+$0x12010] =	vst v0  }
0x35: {  	[spmem:s6] =	stream.linear.scatter [tilespmem:s16], [sflag:$0x3], $0x2000, $0x38;
	[tilespmem:$0x1E000] =	vst v63  }
0x36: {  	_ =	swait.ge [sflag:s14], $0x2000  }
0x37: {  	[sflag:s14] =	ssyncset.done $0x0  }
0x38: {  	[sflag:s14] =	ssyncadd.s32 $0xFFFFE000  }
0x39: {  	[spmem:s10] =	stream.linear.scatter [tilespmem:s16], [sflag:$0x3], $0x2000, $0x38;
	[tilespmem:$0x1E000] =	vst v63  }
0x3a: {  	_ =	swait.ge [sflag:s14], $0x2000  }
0x3b: {  	[sflag:s14] =	ssyncset.done $0x0  }
0x3c: {  	[sflag:s14] =	ssyncadd.s32 $0xFFFFE000  }
0x3d: {  	[spmem:s11] =	stream.linear.scatter [tilespmem:s16], [sflag:$0x3], $0x2000, $0x38;
	[tilespmem:$0x1E000] =	vst v63  }
0x3e: {  	_ =	swait.ge [sflag:s14], $0x2000  }
0x3f: {  	[sflag:s14] =	ssyncset.done $0x0  }
0x40: {  	[sflag:s14] =	ssyncadd.s32 $0xFFFFE000  }
0x41: {  	[spmem:s12] =	stream.linear.scatter [tilespmem:s16], [sflag:$0x3], $0x2000, $0x38;
	[tilespmem:$0x1E000] =	vst v63  }
0x42: {  	_ =	swait.ge [sflag:s14], $0x2000  }
0x43: {  	[sflag:s14] =	ssyncset.done $0x0  }
0x44: {  	[sflag:s14] =	ssyncadd.s32 $0xFFFFE000  }
0x45: {  	[spmem:s13] =	stream.linear.scatter [tilespmem:s16], [sflag:$0x3], $0x2000, $0x38;
	[tilespmem:$0x1E000] =	vst v63  }
0x46: {  	_ =	swait.ge [sflag:s14], $0x2000  }
0x47: {  	[sflag:s14] =	ssyncset.done $0x0  }
0x48: {  	[sflag:s14] =	ssyncadd.s32 $0xFFFFE000  }
0x49: {  	s21 =	simm.s32 $0x0;
	[bflag:$0x0] =	sbarrier.arrive $0xFFFF  }
0x4a: {  	[tilespmem:s18], [sflag:$0x1] =	stream.indirect.gather [hbm4b:s7+s17], $0x40, s21, s17, $0xb8;
	[tilespmem:$0x1E000] =	vst v63  }
0x4b: {  	_ = 	snop  }
0x4c: {  	[tilespmem:s19], [sflag:$0x1] =	stream.indirect.gather [hbm4b:s7+s17], $0x40, s17, s17, $0xb8;
	[tilespmem:$0x1E000] =	vst v63  }
0x4d: {  	_ =	swait.ge [sflag:s20], $0x2000  }
0x4e: {  	[sflag:s20] =	ssyncset.done $0x0  }
0x4f: {  	[sflag:s20] =	ssyncadd.s32 $0xFFFFE000  }
0x50: {  	[spmem:s2] =	stream.indirect.scatter.add.f32 [tilespmem:s18], [sflag:$0x2], $0x40, s15, s17, $0xb8;
	[tilespmem:$0x1E000] =	vst v63  }
0x51: {  	s23 =	simm.s32 $0x100  }
0x52: {  	[tilespmem:s22], [sflag:$0x1] =	stream.indirect.gather [hbm4b:s7+s17], $0x40, s23, s17, $0xb8;
	[tilespmem:$0x1E000] =	vst v63  }
0x53: {  	_ =	swait.ge [sflag:s20], $0x2000  }
0x54: {  	[sflag:s20] =	ssyncset.done $0x0  }
0x55: {  	s28 =	simm.s32 $0x5080;
	[sflag:s20] =	ssyncadd.s32 $0xFFFFE000  }
0x56: {  	[spmem:s2] =	stream.indirect.scatter.add.f32 [tilespmem:s19], [sflag:$0x2], $0x40, s28, s17, $0xb8;
	[tilespmem:$0x1E000] =	vst v63  }
0x57: {  	s24 =	simm.s32 $0x180  }
0x58: {  	[tilespmem:s26], [sflag:$0x1] =	stream.indirect.gather [hbm4b:s7+s17], $0x40, s24, s17, $0xb8;
	[tilespmem:$0x1E000] =	vst v63  }
0x59: {  	_ =	swait.ge [sflag:s20], $0x2000  }
0x5a: {  	[sflag:s20] =	ssyncset.done $0x0  }
0x5b: {  	s28 =	simm.s32 $0x5100;
	[sflag:s20] =	ssyncadd.s32 $0xFFFFE000  }
0x5c: {  	[spmem:s2] =	stream.indirect.scatter.add.f32 [tilespmem:s22], [sflag:$0x2], $0x40, s28, s17, $0xb8;
	[tilespmem:$0x1E000] =	vst v63  }
0x5d: {  	_ =	swait.ge [sflag:s29], $0x2000  }
0x5e: {  	[sflag:s29] =	ssyncset.done $0x0  }
0x5f: {  	[sflag:s29] =	ssyncadd.s32 $0xFFFFE000  }
0x60: {  	[tilespmem:s18], [sflag:$0x1] =	stream.indirect.gather [hbm4b:s7+s17], $0x40, s30, s17, $0xb8;
	[tilespmem:$0x1E000] =	vst v63  }
0x61: {  	_ =	swait.ge [sflag:s20], $0x2000  }
0x62: {  	[sflag:s20] =	ssyncset.done $0x0  }
0x63: {  	[sflag:s20] =	ssyncadd.s32 $0xFFFFE000  }
0x64: {  	[spmem:s2] =	stream.indirect.scatter.add.f32 [tilespmem:s26], [sflag:$0x2], $0x40, s31, s17, $0xb8;
	[tilespmem:$0x1E000] =	vst v63  }
0x65: {  	_ =	swait.ge [sflag:s29], $0x2000  }
0x66: {  	[sflag:s29] =	ssyncset.done $0x0  }
0x67: {  	[sflag:s29] =	ssyncadd.s32 $0xFFFFE000  }
0x68: {  	[tilespmem:s19], [sflag:$0x1] =	stream.indirect.gather [hbm4b:s7+s17], $0x40, s0, s17, $0xb8;
	[tilespmem:$0x1E000] =	vst v63  }
.LBB2_4:
0x69: {  	_ =	swait.ge [sflag:s20], $0x2000  }
0x6a: {  	s23 =	sshra.s32 s21, $0x2;
	[sflag:s20] =	ssyncset.done $0x0  }
0x6b: {  	s24 =	sadd.s32 $0x5200, s23;
	[sflag:s20] =	ssyncadd.s32 $0xFFFFE000  }
0x6c: {  	[spmem:s2] =	stream.indirect.scatter.add.f32 [tilespmem:s18], [sflag:$0x2], $0x40, s24, s17, $0xb8;
	[tilespmem:$0x1E000] =	vst v63  }
0x6d: {  	_ =	swait.ge [sflag:s29], $0x2000  }
0x6e: {  	[sflag:s29] =	ssyncset.done $0x0  }
0x6f: {  	s28 =	sadd.s32 $0x300, s23;
	[sflag:s29] =	ssyncadd.s32 $0xFFFFE000  }
0x70: {  	[tilespmem:s22], [sflag:$0x1] =	stream.indirect.gather [hbm4b:s7+s17], $0x40, s28, s17, $0xb8;
	[tilespmem:$0x1E000] =	vst v63  }
0x71: {  	_ =	swait.ge [sflag:s20], $0x2000  }
0x72: {  	[sflag:s20] =	ssyncset.done $0x0  }
0x73: {  	s28 =	sadd.s32 $0x5280, s23;
	[sflag:s20] =	ssyncadd.s32 $0xFFFFE000  }
0x74: {  	[spmem:s2] =	stream.indirect.scatter.add.f32 [tilespmem:s19], [sflag:$0x2], $0x40, s28, s17, $0xb8;
	[tilespmem:$0x1E000] =	vst v63  }
0x75: {  	_ =	swait.ge [sflag:s29], $0x2000  }
0x76: {  	[sflag:s29] =	ssyncset.done $0x0  }
0x77: {  	s28 =	sadd.s32 $0x380, s23;
	[sflag:s29] =	ssyncadd.s32 $0xFFFFE000  }
0x78: {  	[tilespmem:s26], [sflag:$0x1] =	stream.indirect.gather [hbm4b:s7+s17], $0x40, s28, s17, $0xb8;
	[tilespmem:$0x1E000] =	vst v63  }
0x79: {  	_ =	swait.ge [sflag:s20], $0x2000  }
0x7a: {  	p0 =	seq.s32 s21, $0x13000;
	[sflag:s20] =	ssyncset.done $0x0  }
.Ltmp3:
0x7b: {  	s28 =	sadd.s32 $0x5300, s23;
	[sflag:s20] =	ssyncadd.s32 $0xFFFFE000;
	(pc) =	sbr.rel @p0 .LBB2_6-.Ltmp3, $4  }
0x7c: {  	[spmem:s2] =	stream.indirect.scatter.add.f32 [tilespmem:s22], [sflag:$0x2], $0x40, s28, s17, $0xb8;
	[tilespmem:$0x1E000] =	vst v63  }
0x7d: {  	_ =	swait.ge [sflag:s29], $0x2000  }
0x7e: {  	[sflag:s29] =	ssyncset.done $0x0  }
0x7f: {  	s24 =	sadd.s32 $0x5380, s23;
	[sflag:s29] =	ssyncadd.s32 $0xFFFFE000  }
0x80: {  	s28 =	sadd.s32 $0x400, s23  }
0x81: {  	[tilespmem:s18], [sflag:$0x1] =	stream.indirect.gather [hbm4b:s7+s17], $0x40, s28, s17, $0xb8;
	[tilespmem:$0x1E000] =	vst v63  }
0x82: {  	_ =	swait.ge [sflag:s20], $0x2000  }
0x83: {  	[sflag:s20] =	ssyncset.done $0x0  }
0x84: {  	[sflag:s20] =	ssyncadd.s32 $0xFFFFE000  }
0x85: {  	[spmem:s2] =	stream.indirect.scatter.add.f32 [tilespmem:s26], [sflag:$0x2], $0x40, s24, s17, $0xb8;
	[tilespmem:$0x1E000] =	vst v63  }
.Ltmp4:
0x86: {  	_ = 	snop;
	(pc) =	sbr.rel .LBB2_4-.Ltmp4, $4  }
0x87: {  	_ =	swait.ge [sflag:s29], $0x2000  }
0x88: {  	[sflag:s29] =	ssyncset.done $0x0  }
0x89: {  	s21 =	sadd.s32 $0x800, s21;
	s28 =	sadd.s32 $0x480, s23;
	[sflag:s29] =	ssyncadd.s32 $0xFFFFE000  }
0x8a: {  	[tilespmem:s19], [sflag:$0x1] =	stream.indirect.gather [hbm4b:s7+s17], $0x40, s28, s17, $0xb8;
	[tilespmem:$0x1E000] =	vst v63  }
.LBB2_7:
0x8b: {  	_ =	sfence.sel $0x180000  }
0x8c: {  	[bflag:$0x0] =	sbarrier.arrive $0xFFFF  }
0x8d: {  	_ =	strace $0x9000004D  }
0x8e: {  	s0 =	stileid.u32;
	[bflag:$0x2] =	sbarrier.arrive $0xFFFF  }
0x8f: {  	p0 =	sne.s32 s0, $0x0;
	s0 =	rddreg [dreg:$0x2]  }
0x90: {  	s0 =	sadd.s32 @!p0 $0x100000, s0  }
0x91: {  	[sflag:s0] =	ssyncadd.tile.s32 @!p0 $0x1;
	_ =	shalt  }
.Lfunc_end2:
_tile_overlayer_lowered:
.L_overlay_start_2:
0x92: {  	(tag) =	ssettag $0x2  }
0x93: {  	s0 =	rddreg [dreg:$0x0];
	s2 =	stileid.u32  }
0x94: {  	s1 =	rddreg [dreg:$0x1];
	p0 =	sne.s32 s2, $0x0  }
0x95: {  	s3 =	rddreg [dreg:$0x2];
	[bflag:$0x3] =	sbarrier.arrive $0xFFFF;
	s2 =	simm.s32 @!p0 $0x1C03  }
0x96: {  	[timem:s3], [sflag:s2] =	dma.local @!p0 [hbm:s0], s1  }
0x97: {  	s0 =	simm.s32 @!p0 $0x3  }
0x98: {  	_ =	swait.ge @!p0 [sflag:s0], s1  }
0x99: {  	s1 =	ssub.s32 @!p0 $0x0, s1;
	[sflag:s0] =	ssyncset.done @!p0 $0x0  }
0x9a: {  	[sflag:s0] =	ssyncadd.s32 @!p0 s1  }
0x9b: {  	[bflag:$0x3] =	sbarrier.arrive $0xFFFF  }
0x9c: {  	_ =	shalt  }

// kernel: kernel.8.cloned.1.call-start
scs
__scs_entry_jumppad:
0x0: {  	(pc) =	sbr.rel $0x88, $3  }
0x1: {  	(tag) =	ssettag $0x0;
	lr =	simm.s32 $0x1  }
0x2: {  	[smem:$0x3F9B] =	sst lr;
	_ =	strace $0xD0000000  }
0x3: {  	_ = 	snop  }
0x4: {  	_ = 	snop  }
0x5: {  	_ = 	snop  }
0x6: {  	_ = 	snop  }
0x7: {  	_ = 	snop  }
__scs_overlays_trampoline_lowered:
0x8: {  	[smem:$0x3FAA] =	sst s0  }
0x9: {  	[smem:$0x3FAB] =	sst s1  }
0xa: {  	[smem:$0x3FAC] =	sst s2  }
0xb: {  	[smem:$0x3FAD] =	sst s3  }
0xc: {  	[smem:$0x3FAE] =	sst s4  }
0xd: {  	[smem:$0x3FAF] =	sst s5  }
0xe: {  	[smem:$0x3FB0] =	sst s6  }
0xf: {  	[smem:$0x3FB1] =	sst s7  }
0x10: {  	[smem:$0x3FB2] =	sst s8  }
0x11: {  	[smem:$0x3FB3] =	sst s9;
	s0 =	simm.s32 @!p0 $0x0  }
0x12: {  	s1 =	sld [smem:$0x3F99];
	s0 =	simm.s32 @p0 $0x1  }
0x13: {  	[smem:$0x3FB4] =	sst s0;
	s0 =	simm.s32 @!p1 $0x0  }
0x14: {  	s2 =	sld [smem:$0x3F98];
	s0 =	simm.s32 @p1 $0x1  }
0x15: {  	[smem:$0x3FB5] =	sst s0;
	s0 =	simm.s32 @!p2 $0x0  }
0x16: {  	s3 =	sld [smem:$0x3FDB];
	s0 =	simm.s32 @p2 $0x1  }
0x17: {  	s4 =	simm.s32 $0x1BF5;
	[smem:$0x3FB7] =	sst s0  }
0x18: {  	s0 =	sld [smem:$0x3F9A];
	_ =	swait.ge [sflag:s4], $0x0  }
0x19: {  	s7 =	sld [smem:$0x3F9B]  }
0x1a: {  	s8 =	sadd.s32 $0xFFFFE003, lr  }
0x1b: {  	s9 =	sadd.s32 $0xFFFFFEF7, lr;
	s5 =	simm.s32 $0xFFFFFFFF;
	p2 =	slt.u32 s8, $0xFFFFF086  }
0x1c: {  	p1 =	slt.u32 s9, $0xF7A;
	s5 =	simm.s32 @!p2 $0x0  }
0x1d: {  	s5 =	simm.s32 @p1 $0x1;
	p0 =	seq.s32 s7, s2  }
0x1e: {  	s7 =	smul.u32 @!p0 $0xF7A, s2;
	p2 =	seq.s32 @!p0 s5, $0x0  }
0x1f: {  	s9 =	smul.u32 $0xF7A, s1;
	s8 =	simm.s32 @!p0 $0x1BF5;
	p2 =	por !p2, p0  }
0x20: {  	[sflag:s8] =	ssyncset.s32 @!p0 $0xFFFFF086;
	s6 =	sadd.s32 @!p0 s3, s7;
	s7 =	simm.s32 @!p0 $0x108  }
0x21: {  	s3 =	sadd.s32 s3, s9;
	s6 =	sadd.s32 @!p0 $0x88, s6;
	s7 =	simm.s32 @p2 $0x1082  }
0x22: {  	[simem:s7], [sflag:s8] =	dma.local @!p0 [hbm:s6], $0xF7A  }
0x23: {  	s9 =	sor.u32 $0xD0000000, s2;
	s6 =	simm.s32 $0x108;
	_ =	swait.ge @!p0 [sflag:s8], $0x0  }
0x24: {  	s3 =	sadd.s32 $0x88, s3;
	s6 =	simm.s32 @!p1 $0x1082;
	[sflag:s4] =	ssyncset.s32 $0xFFFFF086  }
0x25: {  	[simem:s6], [sflag:s4] =	dma.local [hbm:s3], $0xF7A  }
0x26: {  	[smem:$0x3F9B] =	sst s1;
	(tag) =	ssettag s2;
	_ =	strace s9  }
0x27: {  	s1 =	sld [smem:$0x3FAB]  }
0x28: {  	s2 =	sld [smem:$0x3FAC]  }
0x29: {  	s4 =	sld [smem:$0x3FAE]  }
0x2a: {  	p0 =	seq.s32 s5, $0x0;
	s5 =	sld [smem:$0x3FAF]  }
0x2b: {  	s6 =	sld [smem:$0x3FB0]  }
0x2c: {  	s7 =	sld [smem:$0x3FB1]  }
0x2d: {  	s3 =	simm.s32 $0x108;
	s8 =	sld [smem:$0x3FB2]  }
0x2e: {  	s3 =	simm.s32 @!p0 $0x1082;
	s9 =	sld [smem:$0x3FB3]  }
0x2f: {  	lr =	sadd.s32 s0, s3;
	s0 =	sld [smem:$0x3FAA]  }
0x30: {  	s3 =	sld [smem:$0x3FAD]  }
0x31: {  	[smem:$0x3FB6] =	sst s10  }
0x32: {  	s10 =	sld [smem:$0x3FB4];
	_ =	sdelay $0x3  }
0x33: {  	p0 =	seq.s32 s10, $0x1;
	s10 =	sld [smem:$0x3FB6];
	_ =	sdelay $0x3  }
0x34: {  	[smem:$0x3FB6] =	sst s10  }
0x35: {  	s10 =	sld [smem:$0x3FB5];
	_ =	sdelay $0x3  }
0x36: {  	p1 =	seq.s32 s10, $0x1;
	s10 =	sld [smem:$0x3FB6];
	_ =	sdelay $0x3  }
0x37: {  	[smem:$0x3FB6] =	sst s10  }
0x38: {  	s10 =	sld [smem:$0x3FB7]  }
0x39: {  	_ = 	snop;
	(pc) =	sbr.ind lr, $3  }
0x3a: {  	_ = 	snop  }
0x3b: {  	_ = 	snop  }
0x3c: {  	p2 =	seq.s32 s10, $0x1;
	s10 =	sld [smem:$0x3FB6]  }
0x3d: {  	_ =	shalt  }
0x3e: {  	_ =	shalt  }
0x3f: {  	_ =	shalt  }
0x40: {  	_ =	shalt  }
0x41: {  	_ =	shalt  }
0x42: {  	_ =	shalt  }
0x43: {  	_ =	shalt  }
0x44: {  	_ =	shalt  }
0x45: {  	_ =	shalt  }
0x46: {  	_ =	shalt  }
0x47: {  	_ =	shalt  }
0x48: {  	_ =	shalt  }
0x49: {  	_ =	shalt  }
0x4a: {  	_ =	shalt  }
0x4b: {  	_ =	shalt  }
0x4c: {  	_ =	shalt  }
0x4d: {  	_ =	shalt  }
0x4e: {  	_ =	shalt  }
0x4f: {  	_ =	shalt  }
0x50: {  	_ =	shalt  }
0x51: {  	_ =	shalt  }
0x52: {  	_ =	shalt  }
0x53: {  	_ =	shalt  }
0x54: {  	_ =	shalt  }
0x55: {  	_ =	shalt  }
0x56: {  	_ =	shalt  }
0x57: {  	_ =	shalt  }
0x58: {  	_ =	shalt  }
0x59: {  	_ =	shalt  }
0x5a: {  	_ =	shalt  }
0x5b: {  	_ =	shalt  }
0x5c: {  	_ =	shalt  }
0x5d: {  	_ =	shalt  }
0x5e: {  	_ =	shalt  }
0x5f: {  	_ =	shalt  }
0x60: {  	_ =	shalt  }
0x61: {  	_ =	shalt  }
0x62: {  	_ =	shalt  }
0x63: {  	_ =	shalt  }
0x64: {  	_ =	shalt  }
0x65: {  	_ =	shalt  }
0x66: {  	_ =	shalt  }
0x67: {  	_ =	shalt  }
0x68: {  	_ =	shalt  }
0x69: {  	_ =	shalt  }
0x6a: {  	_ =	shalt  }
0x6b: {  	_ =	shalt  }
0x6c: {  	_ =	shalt  }
0x6d: {  	_ =	shalt  }
0x6e: {  	_ =	shalt  }
0x6f: {  	_ =	shalt  }
0x70: {  	_ =	shalt  }
0x71: {  	_ =	shalt  }
0x72: {  	_ =	shalt  }
0x73: {  	_ =	shalt  }
0x74: {  	_ =	shalt  }
0x75: {  	_ =	shalt  }
0x76: {  	_ =	shalt  }
0x77: {  	_ =	shalt  }
0x78: {  	_ =	shalt  }
0x79: {  	_ =	shalt  }
0x7a: {  	_ =	shalt  }
0x7b: {  	_ =	shalt  }
0x7c: {  	_ =	shalt  }
0x7d: {  	_ =	shalt  }
0x7e: {  	_ =	shalt  }
0x7f: {  	_ =	shalt  }
0x80: {  	_ =	shalt  }
0x81: {  	_ =	shalt  }
0x82: {  	_ =	shalt  }
0x83: {  	_ =	shalt  }
0x84: {  	_ =	shalt  }
0x85: {  	_ =	shalt  }
0x86: {  	_ =	shalt  }
0x87: {  	_ =	shalt  }
.Lfunc_end0:
.L_simem_size_0:
called_computation_lowered:
.L_overlay_start_0:
0x88: {  	s2 =	sld [smem:$0x3FD9]  }
0x89: {  	s3 =	sld [smem:$0x3FFE];
	_ =	sdelay $0x1  }
0x8a: {  	s1 =	srdreg.scid  }
0x8b: {  	s0 =	sand.u32 $0x1, s1  }
0x8c: {  	s17 =	sshll.u32 s0, $0xA;
	s2 =	sadd.s32 s3, s2  }
0x8d: {  	s2 =	sadd.s32 s2, s17  }
0x8e: {  	[smem:$0x3FC2] =	sst s2  }
0x8f: {  	_ = 	snop  }
0x90: {  	s2 =	sld [smem:$0x3FD0];
	(tm) =	ssettm $0x1  }
0x91: {  	s18 =	sld [smem:$0x3FFB];
	_ =	sdelay $0x3  }
0x92: {  	_ =	strace s18  }
0x93: {  	s3 =	sld [smem:$0x3FFC];
	_ =	sdelay $0x3  }
0x94: {  	_ =	strace s3  }
0x95: {  	s3 =	sld [smem:$0x3FFD];
	_ =	sdelay $0x3  }
0x96: {  	_ =	strace s3  }
0x97: {  	_ =	strace $0x8FFFFFFF  }
0x98: {  	s19 =	sld [smem:$0x3FDB];
	_ =	sdelay $0x1  }
0x99: {  	s4 =	simm.s32 $_scs_section_size  }
0x9a: {  	s5 =	simm.s32 $_size__tile_overlayer_lowered;
	s6 =	simm.s32 $_tile_overlayer_lowered  }
0x9b: {  	s22 =	simm.s32 $0x1BFF;
	s21 =	sshll.u32 s6, $0x1;
	s3 =	sadd.s32 s4, s19  }
0x9c: {  	s7 =	simm.s32 $0x0;
	s20 =	sshll.u32 s5, $0x1;
	s5 =	sadd.s32 s21, s3  }
0x9d: {  	[timem:s7], [sflag:s22] =	dma.local [hbm:s5], s20  }
0x9e: {  	_ =	swait.ge [sflag:s22], s20  }
0x9f: {  	s4 =	ssub.s32 $0x0, s20;
	[sflag:s22] =	ssyncset.done $0x0  }
0xa0: {  	[sflag:s22] =	ssyncadd.s32 s4;
	_ =	sdelay $0x1  }
0xa1: {  	s23 =	simm.s32 $0x1B8B  }
0xa2: {  	_ =	swait.ge [sflag:s23], $0x1  }
0xa3: {  	[sflag:s23] =	ssyncset.done $0x0  }
0xa4: {  	s25 =	simm.s32 $0x1B8E;
	s24 =	sld [smem:$0x3FFE];
	[sflag:s23] =	ssyncadd.s32 $0xFFFFFFFF  }
0xa5: {  	s26 =	simm.s32 $execute0_lowered;
	[smem:$0x3FD2] =	sst s25  }
0xa6: {  	s5 =	sshll.u32 s26, $0x1;
	_ =	strace $0x80000046;
	[dreg:$0x1] =	wrdreg $0xFFFFFFFF  }
0xa7: {  	s28 =	simm.s32 $_size_execute0_lowered;
	s3 =	sadd.s32 s3, s5;
	[dreg:$0x0] =	wrdreg $0x0  }
0xa8: {  	s5 =	sshll.u32 s28, $0x1;
	[dreg:$0x2] =	wrdreg s3  }
0xa9: {  	[dreg:$0x3] =	wrdreg s5  }
0xaa: {  	[dreg:$0x4] =	wrdreg $0xC0  }
0xab: {  	_ =	task [dreg:s7], $0x5FFFF  }
0xac: {  	[dreg:$0x1] =	wrdreg $0xFFFFFFFF  }
0xad: {  	[dreg:$0x0] =	wrdreg $0x60  }
0xae: {  	[dreg:$0x2] =	wrdreg s24  }
0xaf: {  	[dreg:$0x3] =	wrdreg s2  }
0xb0: {  	[dreg:$0x4] =	wrdreg $0x9  }
0xb1: {  	_ =	task.clear_ibuf [dreg:s7], $0x5FFFF;
	_ =	strace $0x90000046  }
0xb2: {  	s29 =	simm.s32 $0x9;
	_ =	strace $0x80000048  }
0xb3: {  	_ =	swait.ge [sflag:s29], $0x1  }
0xb4: {  	[sflag:s29] =	ssyncadd.s32 $0xFFFFFFFF  }
0xb5: {  	_ =	strace $0x90000048  }
0xb6: {  	_ =	sfence  }
0xb7: {  	s30 =	sld [smem:$0x0];
	_ =	sdelay $0x2  }
0xb8: {  	s31 =	sshll.u32 s1, $0xD;
	s1 =	sshrl.u32 s1, $0x2  }
0xb9: {  	s3 =	sand.u32 $0x4000, s31;
	s1 =	sadd.s32 s1, s30  }
0xba: {  	s0 =	sor.u32 s3, s0;
	s1 =	sshll.u32 s1, $0x11  }
0xbb: {  	s0 =	sor.u32 s1, s0  }
0xbc: {  	s0 =	sadd.s32 $0x8F2B, s0  }
0xbd: {  	[sflag:s0] =	ssyncadd.remote.s32 $0x1  }
0xbe: {  	_ =	sfence.sel $0xFFFF  }
0xbf: {  	[dreg:$0x0] =	wrdreg $0xFFFFFFFF;
	(pc) =	sbr.abs _section_cstart, $3  }
0xc0: {  	[dreg:$0x1] =	wrdreg $0xFFFFFFFF  }
0xc1: {  	_ =	task.clear_ibuf [dreg:s7], $0x2FFFF;
	_ =	strace $0x9FFFFFFF  }
0xc2: {  	(tm) =	ssettm $0x7FFFFFFF  }
0xc3: {  	_ =	shalt  }
tec
execute0_lowered:
.L_overlay_start_1:
0x0: {  	(tag) =	ssettag $0x1  }
0x1: {  	s3 =	rddreg [dreg:$0x0]  }
0x2: {  	s4 =	rddreg [dreg:$0x1];
	s1 =	srdreg.scid  }
0x3: {  	s0 =	rddreg [dreg:$0x2];
	s2 =	simm.s32 $0x0;
	s9 =	simm.s32 $0x2800  }
0x4: {  	s10 =	simm.s32 $0x5000;
	s11 =	simm.s32 $0x7800;
	s5 =	sand.u32 $0x1, s1  }
0x5: {  	s1 =	stileid.u32;
	s6 =	smul.u32 $0x50000, s5;
	s7 =	sshll.u32 s5, $0x4  }
0x6: {  	s12 =	simm.s32 $0x0;
	s8 =	smul.u32 $0x5000, s1;
	s7 =	sor.u32 s1, s7  }
0x7: {  	[smem:$0x7FF] =	sst s2;
	s5 =	ssub.s32 $0x2, s5;
	s7 =	smul.u32 $0x500, s7  }
0x8: {  	_ =	strace $0x80000047;
	s31 =	sshrl.u32 s5, $0x1;
	s6 =	sadd.s32 s8, s6  }
0x9: {  	s8 =	ssub.s32 s5, s31;
	s6 =	sshrl.u32 s6, $0x3;
	s7 =	sadd.s32 s7, s3  }
0xa: {  	s3 =	sadd.s32 s4, s6;
	s4 =	sadd.s32 $0xC000, s7;
	s5 =	sadd.s32 $0x2000, s7  }
0xb: {  	v0 =	vimm.f32 $0.0e+00;
	v1 =	vimm.f32 $1.000000000e+00;
	s6 =	sadd.s32 $0x500, s3;
	s7 =	smax.u32 s8, $0x1;
	s8 =	simm.s32 $0x1  }
.LBB2_1:
0xc: {  	[tilespmem:s2], [sflag:$0x1] =	stream.linear.gather [hbm4b:s4+s2], $0x2800, $0x38;
	[tilespmem:$0xA000] =	vst v63  }
0xd: {  	_ =	swait.ge [sflag:s8], $0x2800  }
0xe: {  	[sflag:s8] =	ssyncset.done $0x0  }
0xf: {  	[sflag:s8] =	ssyncadd.s32 $0xFFFFD800  }
0x10: {  	[tilespmem:s9], [sflag:$0x1] =	stream.linear.gather [hbm4b:s5+s2], $0x2800, $0x38;
	[tilespmem:$0xA000] =	vst v63  }
0x11: {  	_ =	swait.ge [sflag:s8], $0x2800  }
0x12: {  	[sflag:s8] =	ssyncset.done $0x0  }
0x13: {  	s13 =	simm.s32 $0x0;
	[sflag:s8] =	ssyncadd.s32 $0xFFFFD800  }
.LBB2_2:
0x14: {  	p0 =	sne.s32 s13, $0x9FC0  }
.Ltmp0:
0x15: {  	_ = 	snop;
	(pc) =	sbr.rel @p0 .LBB2_2-.Ltmp0, $4  }
0x16: {  	_ = 	snop  }
0x17: {  	s14 =	sshra.s32 s13, $0x2  }
0x18: {  	[tilespmem:s14+$0x5000] =	vst v0  }
0x19: {  	s13 =	sadd.s32 $0x40, s13;
	[tilespmem:s14+$0x7800] =	vst v0  }
0x1a: {  	s13 =	simm.s32 $0x0  }
.LBB2_4:
0x1b: {  	s14 =	sshra.s32 s13, $0x2  }
0x1c: {  	v2 =	vld [tilespmem:s14+$0x0]  }
0x1d: {  	v3 =	vld [tilespmem:s14+$0x2800];
	_ =	sdelay $0x6  }
0x1e: {  	[tilespmem:v2+s10+$0x0] =	vst.idx.add.f32.msk $0xffff, v1  }
0x1f: {  	[tilespmem:v3+s11+$0x0] =	vst.idx.add.f32.msk $0xffff, v1  }
0x20: {  	v2 =	vld [tilespmem:s14+$0x10]  }
0x21: {  	v3 =	vld [tilespmem:s14+$0x2810];
	_ =	sdelay $0x6  }
0x22: {  	[tilespmem:v2+s10+$0x0] =	vst.idx.add.f32.msk $0xffff, v1  }
0x23: {  	[tilespmem:v3+s11+$0x0] =	vst.idx.add.f32.msk $0xffff, v1  }
0x24: {  	v2 =	vld [tilespmem:s14+$0x20]  }
0x25: {  	v3 =	vld [tilespmem:s14+$0x2820];
	_ =	sdelay $0x6  }
0x26: {  	[tilespmem:v2+s10+$0x0] =	vst.idx.add.f32.msk $0xffff, v1  }
0x27: {  	[tilespmem:v3+s11+$0x0] =	vst.idx.add.f32.msk $0xffff, v1  }
0x28: {  	v2 =	vld [tilespmem:s14+$0x30]  }
0x29: {  	v3 =	vld [tilespmem:s14+$0x2830];
	_ =	sdelay $0x6  }
0x2a: {  	[tilespmem:v2+s10+$0x0] =	vst.idx.add.f32.msk $0xffff, v1  }
0x2b: {  	[tilespmem:v3+s11+$0x0] =	vst.idx.add.f32.msk $0xffff, v1  }
0x2c: {  	v2 =	vld [tilespmem:s14+$0x40]  }
0x2d: {  	v3 =	vld [tilespmem:s14+$0x2840];
	_ =	sdelay $0x6  }
0x2e: {  	[tilespmem:v2+s10+$0x0] =	vst.idx.add.f32.msk $0xffff, v1  }
0x2f: {  	[tilespmem:v3+s11+$0x0] =	vst.idx.add.f32.msk $0xffff, v1  }
0x30: {  	v2 =	vld [tilespmem:s14+$0x50]  }
0x31: {  	v3 =	vld [tilespmem:s14+$0x2850];
	_ =	sdelay $0x6  }
0x32: {  	[tilespmem:v2+s10+$0x0] =	vst.idx.add.f32.msk $0xffff, v1  }
0x33: {  	[tilespmem:v3+s11+$0x0] =	vst.idx.add.f32.msk $0xffff, v1  }
0x34: {  	v2 =	vld [tilespmem:s14+$0x60]  }
0x35: {  	v3 =	vld [tilespmem:s14+$0x2860];
	_ =	sdelay $0x6  }
0x36: {  	[tilespmem:v2+s10+$0x0] =	vst.idx.add.f32.msk $0xffff, v1  }
0x37: {  	[tilespmem:v3+s11+$0x0] =	vst.idx.add.f32.msk $0xffff, v1  }
0x38: {  	v2 =	vld [tilespmem:s14+$0x70]  }
0x39: {  	v3 =	vld [tilespmem:s14+$0x2870];
	_ =	sdelay $0x2  }
0x3a: {  	p0 =	sne.s32 s13, $0x9E00  }
.Ltmp1:
0x3b: {  	_ = 	snop;
	(pc) =	sbr.rel @p0 .LBB2_4-.Ltmp1, $3  }
0x3c: {  	_ =	sdelay $0x1  }
0x3d: {  	[tilespmem:v2+s10+$0x0] =	vst.idx.add.f32.msk $0xffff, v1  }
0x3e: {  	s13 =	sadd.s32 $0x200, s13;
	[tilespmem:v3+s11+$0x0] =	vst.idx.add.f32.msk $0xffff, v1  }
0x3f: {  	[hbm4b:s3+s2] =	stream.linear.scatter [tilespmem:s10], [sflag:$0x1], $0x2800, $0x38;
	[tilespmem:$0xA000] =	vst v63  }
0x40: {  	s12 =	sadd.s32 $0x1, s12;
	_ =	swait.ge [sflag:s8], $0x2800  }
0x41: {  	p0 =	sne.s32 s12, s7;
	[sflag:s8] =	ssyncset.done $0x0  }
.Ltmp2:
0x42: {  	[sflag:s8] =	ssyncadd.s32 $0xFFFFD800;
	(pc) =	sbr.rel @p0 .LBB2_1-.Ltmp2, $4  }
0x43: {  	[hbm4b:s6+s2] =	stream.linear.scatter [tilespmem:s11], [sflag:$0x1], $0x2800, $0x38;
	[tilespmem:$0xA000] =	vst v63  }
0x44: {  	_ =	swait.ge [sflag:s8], $0x2800  }
0x45: {  	[sflag:s8] =	ssyncset.done $0x0  }
0x46: {  	[sflag:s8] =	ssyncadd.s32 $0xFFFFD800  }
0x47: {  	_ =	sfence.sel $0x180000  }
0x48: {  	[bflag:$0x0] =	sbarrier.arrive $0xFFFF  }
0x49: {  	p0 =	sne.s32 s1, $0x0;
	_ =	strace $0x90000047  }
0x4a: {  	s0 =	sadd.s32 @!p0 $0x100000, s0;
	[bflag:$0x2] =	sbarrier.arrive $0xFFFF  }
0x4b: {  	[sflag:s0] =	ssyncadd.tile.s32 @!p0 $0x1;
	_ =	shalt  }
.Lfunc_end2:
_tile_overlayer_lowered:
.L_overlay_start_2:
0x4c: {  	(tag) =	ssettag $0x2  }
0x4d: {  	s0 =	rddreg [dreg:$0x0];
	s2 =	stileid.u32  }
0x4e: {  	s1 =	rddreg [dreg:$0x1];
	p0 =	sne.s32 s2, $0x0  }
0x4f: {  	s3 =	rddreg [dreg:$0x2];
	[bflag:$0x3] =	sbarrier.arrive $0xFFFF;
	s2 =	simm.s32 @!p0 $0x1C01  }
0x50: {  	[timem:s3], [sflag:s2] =	dma.local @!p0 [hbm:s0], s1  }
0x51: {  	s0 =	simm.s32 @!p0 $0x1  }
0x52: {  	_ =	swait.ge @!p0 [sflag:s0], s1  }
0x53: {  	s1 =	ssub.s32 @!p0 $0x0, s1;
	[sflag:s0] =	ssyncset.done @!p0 $0x0  }
0x54: {  	[sflag:s0] =	ssyncadd.s32 @!p0 s1  }
0x55: {  	[bflag:$0x3] =	sbarrier.arrive $0xFFFF  }
0x56: {  	_ =	shalt  }

</sc_bundles>
